<compile_context>
chip_gen: v7x
topology: tpu7x:2x2x1
jax: 0.10.2.dev20260603
libtpu: 0.0.44.dev20260713+nightly
codegen_flags: <defaults>
</compile_context>

<pallas_src>
import functools

import jax
import jax.numpy as jnp
from jax import lax
from jax.experimental import pallas as pl
from jax.experimental.pallas import tpu as pltpu
from jax.experimental.pallas import tpu_sc as plsc

N = 10000
E = 320000
D = 128
NG = 16
NC = 2
NS = 16
NW = NC * NS
EPT = E // NW
K = 100
CHUNKS = EPT // K
HALVES = 2
HALF = CHUNKS // HALVES
WT = 10
RPT = N // WT
R = 1000
G = N // R

_f32 = jnp.float32
_HI = lax.Precision.HIGHEST


def _scatter_body(hs_hbm, src_hbm, dst_hbm, zrows_hbm, out_hbm,
                  srcb, dstb, rows0, rows1, acc_sh, sem0, sem1):
    cid = lax.axis_index("c")
    sid = lax.axis_index("s")
    wid = cid * NS + sid

    @pl.when(sid < WT)
    def _zero():
        pltpu.sync_copy(zrows_hbm, acc_sh.at[pl.ds(sid * RPT, RPT)])

    plsc.subcore_barrier()

    def pair(t, _):
        j = 2 * t
        pltpu.async_copy(hs_hbm.at[srcb.at[j + 1]], rows1, sem1)
        pltpu.make_async_copy(hs_hbm.at[srcb.at[j]], rows0, sem0).wait()
        pltpu.sync_copy(rows0, acc_sh.at[dstb.at[j]], add=True)

        @pl.when(j + 2 < HALF)
        def _next():
            pltpu.async_copy(hs_hbm.at[srcb.at[j + 2]], rows0, sem0)

        pltpu.make_async_copy(hs_hbm.at[srcb.at[j + 1]], rows1, sem1).wait()
        pltpu.sync_copy(rows1, acc_sh.at[dstb.at[j + 1]], add=True)
        return 0

    for h in range(HALVES):
        pltpu.sync_copy(src_hbm.at[wid, h], srcb)
        pltpu.sync_copy(dst_hbm.at[wid, h], dstb)
        pltpu.async_copy(hs_hbm.at[srcb.at[0]], rows0, sem0)
        lax.fori_loop(0, HALF // 2, pair, 0)

    plsc.subcore_barrier()

    @pl.when(sid < WT)
    def _wb():
        pltpu.sync_copy(acc_sh.at[pl.ds(sid * RPT, RPT)],
                        out_hbm.at[pl.ds(cid * N + sid * RPT, RPT)])


def _deg_body(ones_hbm, dst_hbm, zrows_hbm, out_hbm, dstb, ones_v, acc_sh):
    cid = lax.axis_index("c")
    sid = lax.axis_index("s")
    wid = cid * NS + sid
    pltpu.sync_copy(ones_hbm, ones_v)

    @pl.when(sid < WT)
    def _zero():
        pltpu.sync_copy(zrows_hbm, acc_sh.at[pl.ds(sid * RPT, RPT)])

    plsc.subcore_barrier()

    def chunk(j, _):
        pltpu.sync_copy(ones_v, acc_sh.at[dstb.at[j]], add=True)
        return 0

    for h in range(HALVES):
        pltpu.sync_copy(dst_hbm.at[wid, h], dstb)
        lax.fori_loop(0, HALF, chunk, 0)

    plsc.subcore_barrier()

    @pl.when(sid < WT)
    def _wb():
        pltpu.sync_copy(acc_sh.at[pl.ds(sid * RPT, RPT)],
                        out_hbm.at[pl.ds(cid * N + sid * RPT, RPT)])


@functools.cache
def _deg_kernel():
    mesh = plsc.VectorSubcoreMesh(core_axis_name="c", subcore_axis_name="s")
    return pl.kernel(
        _deg_body,
        out_type=jax.ShapeDtypeStruct((NC * N, D), _f32),
        mesh=mesh,
        scratch_types=[
            pltpu.VMEM((HALF, K), jnp.int32),
            pltpu.VMEM((K, D), _f32),
            pltpu.VMEM_SHARED((N, D), _f32),
        ],
    )


@functools.cache
def _scatter_kernel():
    mesh = plsc.VectorSubcoreMesh(core_axis_name="c", subcore_axis_name="s")
    return pl.kernel(
        _scatter_body,
        out_type=jax.ShapeDtypeStruct((NC * N, D), _f32),
        mesh=mesh,
        scratch_types=[
            pltpu.VMEM((HALF, K), jnp.int32),
            pltpu.VMEM((HALF, K), jnp.int32),
            pltpu.VMEM((K, D), _f32),
            pltpu.VMEM((K, D), _f32),
            pltpu.VMEM_SHARED((N, D), _f32),
            pltpu.SemaphoreType.DMA,
            pltpu.SemaphoreType.DMA,
        ],
    )


def _dis_of(hist_ref):
    deg = 1.0 + hist_ref[0, :, 0] + hist_ref[1, :, 0]
    return lax.rsqrt(deg)


def _hist_spec():
    return pl.BlockSpec((NC, R, D), lambda i: (0, i, 0))


def _mm_body(x_ref, w_ref, out_ref):
    out_ref[...] = jnp.dot(x_ref[...], w_ref[...],
                           preferred_element_type=_f32, precision=_HI)


def _scale_body(hw_ref, hist_ref, out_ref):
    dis = _dis_of(hist_ref)
    out_ref[...] = hw_ref[...] * dis[:, None]


def _b2_body(acc_ref, hs_ref, b_ref, w_ref, hist_ref, out_ref):
    dis = _dis_of(hist_ref)
    h = dis[:, None] * (acc_ref[0] + acc_ref[1] + hs_ref[...]) + b_ref[...]
    h = jnp.maximum(h, 0.0)
    hw = jnp.dot(h, w_ref[...], preferred_element_type=_f32, precision=_HI)
    out_ref[...] = hw * dis[:, None]


def _b3_body(acc_ref, hs_ref, b_ref, hist_ref, batch_ref, gsum_ref, cnt_ref):
    i = pl.program_id(0)
    dis = _dis_of(hist_ref)
    h = dis[:, None] * (acc_ref[0] + acc_ref[1] + hs_ref[...]) + b_ref[...]
    h = jnp.maximum(h, 0.0)
    bt = batch_ref[0, 0, :]
    seg = lax.broadcasted_iota(jnp.int32, (NG, R), 0)
    onehot = (bt[None, :] == seg).astype(_f32)
    part = jnp.dot(onehot, h, preferred_element_type=_f32, precision=_HI)
    cpart = jnp.sum(onehot, axis=1, keepdims=True)

    @pl.when(i == 0)
    def _init():
        gsum_ref[...] = jnp.zeros_like(gsum_ref)
        cnt_ref[...] = jnp.zeros_like(cnt_ref)

    gsum_ref[...] += part
    cnt_ref[...] += cpart


def _b4_body(gsum_ref, cnt_ref, wl1_ref, bl1_ref, wl2_ref, bl2_ref, out_ref):
    g = gsum_ref[...] / jnp.maximum(cnt_ref[...], 1.0)
    a = jnp.dot(g, wl1_ref[...], preferred_element_type=_f32, precision=_HI)
    a = jnp.maximum(a + bl1_ref[...], 0.0)
    o = jnp.dot(a, wl2_ref[...], preferred_element_type=_f32, precision=_HI)
    o = o + bl2_ref[...]
    out_ref[...] = 1.0 / (1.0 + jnp.exp(-o))


def _mm_call(x, W):
    return pl.pallas_call(
        _mm_body,
        grid=(G,),
        in_specs=[
            pl.BlockSpec((R, D), lambda i: (i, 0)),
            pl.BlockSpec((D, D), lambda i: (0, 0)),
        ],
        out_specs=pl.BlockSpec((R, D), lambda i: (i, 0)),
        out_shape=jax.ShapeDtypeStruct((N, D), _f32),
    )(x, W)


def _scale_call(hw, hist):
    return pl.pallas_call(
        _scale_body,
        grid=(G,),
        in_specs=[
            pl.BlockSpec((R, D), lambda i: (i, 0)),
            _hist_spec(),
        ],
        out_specs=pl.BlockSpec((R, D), lambda i: (i, 0)),
        out_shape=jax.ShapeDtypeStruct((N, D), _f32),
    )(hw, hist)


def _b2_call(acc, hs, b, W, hist):
    return pl.pallas_call(
        _b2_body,
        grid=(G,),
        in_specs=[
            pl.BlockSpec((NC, R, D), lambda i: (0, i, 0)),
            pl.BlockSpec((R, D), lambda i: (i, 0)),
            pl.BlockSpec((1, D), lambda i: (0, 0)),
            pl.BlockSpec((D, D), lambda i: (0, 0)),
            _hist_spec(),
        ],
        out_specs=pl.BlockSpec((R, D), lambda i: (i, 0)),
        out_shape=jax.ShapeDtypeStruct((N, D), _f32),
    )(acc, hs, b, W, hist)


def _b3_call(acc, hs, b, hist, batch3):
    return pl.pallas_call(
        _b3_body,
        grid=(G,),
        in_specs=[
            pl.BlockSpec((NC, R, D), lambda i: (0, i, 0)),
            pl.BlockSpec((R, D), lambda i: (i, 0)),
            pl.BlockSpec((1, D), lambda i: (0, 0)),
            _hist_spec(),
            pl.BlockSpec((1, 1, R), lambda i: (i, 0, 0)),
        ],
        out_specs=[
            pl.BlockSpec((NG, D), lambda i: (0, 0)),
            pl.BlockSpec((NG, 1), lambda i: (0, 0)),
        ],
        out_shape=[
            jax.ShapeDtypeStruct((NG, D), _f32),
            jax.ShapeDtypeStruct((NG, 1), _f32),
        ],
    )(acc, hs, b, hist, batch3)


def _b4_call(gsum, cnt, Wl1, bl1, Wl2, bl2):
    return pl.pallas_call(
        _b4_body,
        out_shape=jax.ShapeDtypeStruct((NG, 5), _f32),
    )(gsum, cnt, Wl1, bl1, Wl2, bl2)


def kernel(x, edge_index, batch, W1, b1, W2, b2, Wl1, bl1, Wl2, bl2):
    src4 = edge_index[0].reshape(NW, HALVES, HALF, K)
    dst4 = edge_index[1].reshape(NW, HALVES, HALF, K)
    zrows = jnp.zeros((RPT, D), _f32)
    hw1 = _mm_call(x, W1)
    hist = _deg_kernel()(jnp.ones((K, D), _f32), dst4,
                         zrows).reshape(NC, N, D)
    hs1 = _scale_call(hw1, hist)
    acc1 = _scatter_kernel()(hs1, src4, dst4, zrows).reshape(NC, N, D)
    hs2 = _b2_call(acc1, hs1, b1.reshape(1, D), W2, hist)
    acc2 = _scatter_kernel()(hs2, src4, dst4, zrows).reshape(NC, N, D)
    gsum, cnt = _b3_call(acc2, hs2, b2.reshape(1, D), hist,
                         batch.reshape(G, 1, R))
    return _b4_call(gsum, cnt, Wl1, bl1.reshape(1, D // 2), Wl2,
                    bl2.reshape(1, 5))

# --- scband reference (transcript-rebuilt; emitter-appended) ---
"""Pipeline reference for scband-gnnregressor-87660282511864 (READ-ONLY COPY).

The authoritative reference and input builder live on the scoring server;
editing this copy changes nothing except your own understanding.
"""

import jax, jax.numpy as jnp
import numpy as np

N = 10000
E = 320000
D_IN = 128
HID = 128
N_GRAPHS = 16


def setup_inputs(seed: int = 0) -> dict:
    key = jax.random.key(seed)
    ks = jax.random.split(key, 12)
    x = jax.random.normal(ks[0], (N, D_IN), dtype=jnp.float32)
    edge_index = jax.random.randint(ks[1], (2, E), 0, N, dtype=jnp.int32)
    batch = jnp.sort(jax.random.randint(ks[2], (N,), 0, N_GRAPHS, dtype=jnp.int32))
    s = 0.05
    W1 = jax.random.normal(ks[3], (D_IN, HID), dtype=jnp.float32) * s
    b1 = jnp.zeros((HID,), dtype=jnp.float32)
    W2 = jax.random.normal(ks[4], (HID, HID), dtype=jnp.float32) * s
    b2 = jnp.zeros((HID,), dtype=jnp.float32)
    Wl1 = jax.random.normal(ks[5], (HID, HID // 2), dtype=jnp.float32) * s
    bl1 = jnp.zeros((HID // 2,), dtype=jnp.float32)
    Wl2 = jax.random.normal(ks[6], (HID // 2, 5), dtype=jnp.float32) * s
    bl2 = jnp.zeros((5,), dtype=jnp.float32)
    return {"x": x, "edge_index": edge_index, "batch": batch,
            "W1": W1, "b1": b1, "W2": W2, "b2": b2,
            "Wl1": Wl1, "bl1": bl1, "Wl2": Wl2, "bl2": bl2}


def gcn_conv(x, edge_index, W, b):
    # PyG-style GCNConv: x' = D^{-1/2} (A + I) D^{-1/2} (x W) + b
    n = x.shape[0]
    h = x @ W
    src = edge_index[0]
    dst = edge_index[1]
    loop = jnp.arange(n, dtype=src.dtype)
    src = jnp.concatenate([src, loop])
    dst = jnp.concatenate([dst, loop])
    deg = jnp.zeros((n,), dtype=h.dtype).at[dst].add(1.0)
    dis = jnp.where(deg > 0, jax.lax.rsqrt(jnp.maximum(deg, 1e-12)), 0.0)
    norm = dis[src] * dis[dst]
    msg = h[src] * norm[:, None]
    out = jnp.zeros_like(h).at[dst].add(msg)
    return out + b


def global_mean_pool(x, batch, num_segments):
    sums = jax.ops.segment_sum(x, batch, num_segments=num_segments)
    cnt = jax.ops.segment_sum(jnp.ones((x.shape[0],), dtype=x.dtype), batch, num_segments=num_segments)
    return sums / jnp.clip(cnt, 1.0)[:, None]


def reference(x, edge_index, batch, W1, b1, W2, b2, Wl1, bl1, Wl2, bl2):
    h = jax.nn.relu(gcn_conv(x, edge_index, W1, b1))
    h = jax.nn.relu(gcn_conv(h, edge_index, W2, b2))
    g = global_mean_pool(h, batch, N_GRAPHS)
    g = jax.nn.relu(g @ Wl1 + bl1)
    out = jax.nn.sigmoid(g @ Wl2 + bl2)
    return out

if __name__ == "__main__":
    import jax
    _d = setup_inputs()
    print(jax.jit(kernel)(*tuple(_d.values())))

</pallas_src>

<mosaic_0001>
#map = affine_map<(d0, d1) -> (0, 0)>
#map1 = affine_map<(d0, d1) -> (0, 0, 0, 0)>
module attributes {stable_mosaic.version = 14 : i64} {
  func.func @_deg_body(%arg0: i32, %arg1: i32, %arg2: memref<100x128xf32, #tpu.memory_space<hbm>>, %arg3: memref<32x2x50x100xi32, #tpu.memory_space<hbm>>, %arg4: memref<1000x128xf32, #tpu.memory_space<hbm>>, %arg5: memref<20000x128xf32, #tpu.memory_space<hbm>>, %arg6: memref<50x100xi32, #tpu.memory_space<vmem>>, %arg7: memref<100x128xf32, #tpu.memory_space<vmem>>, %arg8: memref<10000x128xf32, #tpu.memory_space<vmem_shared>>) attributes {dimension_semantics = [#tpu.dimension_semantics<core_parallel>, #tpu.dimension_semantics<subcore_parallel>], iteration_bounds = array<i64: 2, 16>, scalar_prefetch = 0 : i64, scratch_operands = 3 : i64, tpu.core_type = #tpu.core_type<sc_vector_subcore>, window_params = [{transform_indices = #map}, {transform_indices = #map1}, {transform_indices = #map}, {transform_indices = #map}]} {
    %mul3A = arith.constant 16 : i32
    %mul3A_0 = arith.muli %arg0, %mul3A : i32
    %add3A = arith.addi %mul3A_0, %arg1 : i32
    "tpu.region"() ({
      %run_scoped3A_23 = tpu.sem_alloc : memref<!tpu.dma_semaphore, #tpu.memory_space<semaphore_mem>>
      tpu.enqueue_dma source(%arg2 : memref<100x128xf32, #tpu.memory_space<hbm>>) target(%arg7 : memref<100x128xf32, #tpu.memory_space<vmem>>) target_semaphore(%run_scoped3A_23 : memref<!tpu.dma_semaphore, #tpu.memory_space<semaphore_mem>>)
      tpu.wait_dma2 semaphore(%run_scoped3A_23 : memref<!tpu.dma_semaphore, #tpu.memory_space<semaphore_mem>>) src(%arg2 : memref<100x128xf32, #tpu.memory_space<hbm>>) dst(%arg7 : memref<100x128xf32, #tpu.memory_space<vmem>>)
      tpu.yield
    }) : () -> ()
    %lt3A = arith.constant 10 : i32
    %lt3A_1 = arith.cmpi slt, %arg1, %lt3A : i32
    %convert_element_type3A = arith.extui %lt3A_1 : i1 to i32
    %cond3A = arith.constant 0 : i32
    %cond3A_2 = arith.cmpi ne, %convert_element_type3A, %cond3A : i32
    scf.if %cond3A_2 {
      %mul3A_23 = arith.constant 1000 : i32
      %mul3A_24 = arith.muli %arg1, %mul3A_23 : i32
      "tpu.region"() ({
        %run_scoped3A_25 = tpu.sem_alloc : memref<!tpu.dma_semaphore, #tpu.memory_space<semaphore_mem>>
        %dma_start3A = arith.constant 0 : i32
        %dma_start3A_26 = tpu.memref_slice %arg8[%mul3A_24, %dma_start3A] : memref<10000x128xf32, #tpu.memory_space<vmem_shared>> -> memref<1000x128xf32, #tpu.memory_space<vmem_shared>>
        tpu.enqueue_dma source(%arg4 : memref<1000x128xf32, #tpu.memory_space<hbm>>) target(%dma_start3A_26 : memref<1000x128xf32, #tpu.memory_space<vmem_shared>>) target_semaphore(%run_scoped3A_25 : memref<!tpu.dma_semaphore, #tpu.memory_space<semaphore_mem>>)
        %dma_wait3A = arith.constant 0 : i32
        %dma_wait3A_27 = tpu.memref_slice %arg8[%mul3A_24, %dma_wait3A] : memref<10000x128xf32, #tpu.memory_space<vmem_shared>> -> memref<1000x128xf32, #tpu.memory_space<vmem_shared>>
        tpu.wait_dma2 semaphore(%run_scoped3A_25 : memref<!tpu.dma_semaphore, #tpu.memory_space<semaphore_mem>>) src(%arg4 : memref<1000x128xf32, #tpu.memory_space<hbm>>) dst(%dma_wait3A_27 : memref<1000x128xf32, #tpu.memory_space<vmem_shared>>)
        tpu.yield
      }) : () -> ()
    } else {
    }
    %barrier3A = arith.constant 0 : index
    tpu.barrier barrier_id(%barrier3A)
    %run_scoped3A = arith.constant 0 : i32
    "tpu.region"() ({
      %run_scoped3A_23 = tpu.sem_alloc : memref<!tpu.dma_semaphore, #tpu.memory_space<semaphore_mem>>
      %dma_start3A = arith.constant 0 : i32
      %dma_start3A_24 = arith.constant 0 : i32
      %dma_start3A_25 = tpu.memref_slice %arg3[%add3A, %run_scoped3A, %dma_start3A, %dma_start3A_24] : memref<32x2x50x100xi32, #tpu.memory_space<hbm>> -> memref<1x1x50x100xi32, #tpu.memory_space<hbm>>
      %dma_start3A_26 = tpu.memref_squeeze %dma_start3A_25 : memref<1x1x50x100xi32, #tpu.memory_space<hbm>> -> memref<50x100xi32, #tpu.memory_space<hbm>>
      %dma_start3A_27 = arith.constant 0 : i32
      %dma_start3A_28 = arith.constant 0 : i32
      %dma_start3A_29 = tpu.memref_slice %arg3[%add3A, %run_scoped3A, %dma_start3A_27, %dma_start3A_28] : memref<32x2x50x100xi32, #tpu.memory_space<hbm>> -> memref<1x1x50x100xi32, #tpu.memory_space<hbm>>
      %dma_start3A_30 = tpu.memref_squeeze %dma_start3A_29 : memref<1x1x50x100xi32, #tpu.memory_space<hbm>> -> memref<50x100xi32, #tpu.memory_space<hbm>>
      tpu.enqueue_dma source(%dma_start3A_30 : memref<50x100xi32, #tpu.memory_space<hbm>>) target(%arg6 : memref<50x100xi32, #tpu.memory_space<vmem>>) target_semaphore(%run_scoped3A_23 : memref<!tpu.dma_semaphore, #tpu.memory_space<semaphore_mem>>)
      %dma_wait3A = arith.constant 0 : i32
      %dma_wait3A_31 = arith.constant 0 : i32
      %dma_wait3A_32 = tpu.memref_slice %arg3[%add3A, %run_scoped3A, %dma_wait3A, %dma_wait3A_31] : memref<32x2x50x100xi32, #tpu.memory_space<hbm>> -> memref<1x1x50x100xi32, #tpu.memory_space<hbm>>
      %dma_wait3A_33 = tpu.memref_squeeze %dma_wait3A_32 : memref<1x1x50x100xi32, #tpu.memory_space<hbm>> -> memref<50x100xi32, #tpu.memory_space<hbm>>
      %dma_wait3A_34 = arith.constant 0 : i32
      %dma_wait3A_35 = arith.constant 0 : i32
      %dma_wait3A_36 = tpu.memref_slice %arg3[%add3A, %run_scoped3A, %dma_wait3A_34, %dma_wait3A_35] : memref<32x2x50x100xi32, #tpu.memory_space<hbm>> -> memref<1x1x50x100xi32, #tpu.memory_space<hbm>>
      %dma_wait3A_37 = tpu.memref_squeeze %dma_wait3A_36 : memref<1x1x50x100xi32, #tpu.memory_space<hbm>> -> memref<50x100xi32, #tpu.memory_space<hbm>>
      tpu.wait_dma2 semaphore(%run_scoped3A_23 : memref<!tpu.dma_semaphore, #tpu.memory_space<semaphore_mem>>) src(%dma_wait3A_37 : memref<50x100xi32, #tpu.memory_space<hbm>>) dst(%arg6 : memref<50x100xi32, #tpu.memory_space<vmem>>)
      tpu.yield
    }) : () -> ()
    %scan3A = arith.constant 0 : i32
    %scan3A_3 = arith.constant 0 : i32
    %scan3A_4 = arith.constant 50 : i32
    %scan3A_5 = arith.addi %scan3A_3, %scan3A_4 : i32
    %scan3A_6 = arith.constant 1 : i32
    %scan3A_7 = scf.for %scan3A_23 = %scan3A_3 to %scan3A_5 step %scan3A_6 iter_args(%scan3A_24 = %scan3A) -> (i32)  : i32 {
      "tpu.region"() ({
        %run_scoped3A_26 = tpu.sem_alloc : memref<!tpu.dma_semaphore, #tpu.memory_space<semaphore_mem>>
        %dma_start3A = arith.constant 0 : i32
        %dma_start3A_27 = tpu.memref_slice %arg6[%scan3A_23, %dma_start3A] : memref<50x100xi32, #tpu.memory_space<vmem>> -> memref<1x100xi32, #tpu.memory_space<vmem>>
        %dma_start3A_28 = tpu.memref_squeeze %dma_start3A_27 : memref<1x100xi32, #tpu.memory_space<vmem>> -> memref<100xi32, #tpu.memory_space<vmem>>
        %dma_start3A_29 = arith.constant 0 : i32
        %dma_start3A_30 = arith.constant 0 : i32
        %dma_start3A_31 = tpu.memref_slice %arg8[%dma_start3A_29, %dma_start3A_30] : memref<10000x128xf32, #tpu.memory_space<vmem_shared>> -> memref<10000x128xf32, #tpu.memory_space<vmem_shared>>
        tpu.enqueue_indirect_dma source(%arg7 : memref<100x128xf32, #tpu.memory_space<vmem>>) target(%dma_start3A_31 : memref<10000x128xf32, #tpu.memory_space<vmem_shared>>) offsets(%dma_start3A_28 : memref<100xi32, #tpu.memory_space<vmem>>) semaphore(%run_scoped3A_26 : memref<!tpu.dma_semaphore, #tpu.memory_space<semaphore_mem>>) {add = true}
        %dma_wait3A = arith.constant 0 : i32
        %dma_wait3A_32 = tpu.memref_slice %arg6[%scan3A_23, %dma_wait3A] : memref<50x100xi32, #tpu.memory_space<vmem>> -> memref<1x100xi32, #tpu.memory_space<vmem>>
        %dma_wait3A_33 = tpu.memref_squeeze %dma_wait3A_32 : memref<1x100xi32, #tpu.memory_space<vmem>> -> memref<100xi32, #tpu.memory_space<vmem>>
        %dma_wait3A_34 = arith.constant 0 : i32
        %dma_wait3A_35 = arith.constant 0 : i32
        %dma_wait3A_36 = tpu.memref_slice %arg8[%dma_wait3A_34, %dma_wait3A_35] : memref<10000x128xf32, #tpu.memory_space<vmem_shared>> -> memref<10000x128xf32, #tpu.memory_space<vmem_shared>>
        tpu.wait_indirect_dma semaphore(%run_scoped3A_26 : memref<!tpu.dma_semaphore, #tpu.memory_space<semaphore_mem>>) src(%arg7 : memref<100x128xf32, #tpu.memory_space<vmem>>) dst(%dma_wait3A_36 : memref<10000x128xf32, #tpu.memory_space<vmem_shared>>)
        tpu.yield
      }) : () -> ()
      %scan3A_25 = arith.constant 0 : i32
      scf.yield %scan3A_25 : i32
    }
    %scan3A_8 = arith.constant 50 : i32
    %run_scoped3A_9 = arith.constant 1 : i32
    "tpu.region"() ({
      %run_scoped3A_23 = tpu.sem_alloc : memref<!tpu.dma_semaphore, #tpu.memory_space<semaphore_mem>>
      %dma_start3A = arith.constant 0 : i32
      %dma_start3A_24 = arith.constant 0 : i32
      %dma_start3A_25 = tpu.memref_slice %arg3[%add3A, %run_scoped3A_9, %dma_start3A, %dma_start3A_24] : memref<32x2x50x100xi32, #tpu.memory_space<hbm>> -> memref<1x1x50x100xi32, #tpu.memory_space<hbm>>
      %dma_start3A_26 = tpu.memref_squeeze %dma_start3A_25 : memref<1x1x50x100xi32, #tpu.memory_space<hbm>> -> memref<50x100xi32, #tpu.memory_space<hbm>>
      %dma_start3A_27 = arith.constant 0 : i32
      %dma_start3A_28 = arith.constant 0 : i32
      %dma_start3A_29 = tpu.memref_slice %arg3[%add3A, %run_scoped3A_9, %dma_start3A_27, %dma_start3A_28] : memref<32x2x50x100xi32, #tpu.memory_space<hbm>> -> memref<1x1x50x100xi32, #tpu.memory_space<hbm>>
      %dma_start3A_30 = tpu.memref_squeeze %dma_start3A_29 : memref<1x1x50x100xi32, #tpu.memory_space<hbm>> -> memref<50x100xi32, #tpu.memory_space<hbm>>
      tpu.enqueue_dma source(%dma_start3A_30 : memref<50x100xi32, #tpu.memory_space<hbm>>) target(%arg6 : memref<50x100xi32, #tpu.memory_space<vmem>>) target_semaphore(%run_scoped3A_23 : memref<!tpu.dma_semaphore, #tpu.memory_space<semaphore_mem>>)
      %dma_wait3A = arith.constant 0 : i32
      %dma_wait3A_31 = arith.constant 0 : i32
      %dma_wait3A_32 = tpu.memref_slice %arg3[%add3A, %run_scoped3A_9, %dma_wait3A, %dma_wait3A_31] : memref<32x2x50x100xi32, #tpu.memory_space<hbm>> -> memref<1x1x50x100xi32, #tpu.memory_space<hbm>>
      %dma_wait3A_33 = tpu.memref_squeeze %dma_wait3A_32 : memref<1x1x50x100xi32, #tpu.memory_space<hbm>> -> memref<50x100xi32, #tpu.memory_space<hbm>>
      %dma_wait3A_34 = arith.constant 0 : i32
      %dma_wait3A_35 = arith.constant 0 : i32
      %dma_wait3A_36 = tpu.memref_slice %arg3[%add3A, %run_scoped3A_9, %dma_wait3A_34, %dma_wait3A_35] : memref<32x2x50x100xi32, #tpu.memory_space<hbm>> -> memref<1x1x50x100xi32, #tpu.memory_space<hbm>>
      %dma_wait3A_37 = tpu.memref_squeeze %dma_wait3A_36 : memref<1x1x50x100xi32, #tpu.memory_space<hbm>> -> memref<50x100xi32, #tpu.memory_space<hbm>>
      tpu.wait_dma2 semaphore(%run_scoped3A_23 : memref<!tpu.dma_semaphore, #tpu.memory_space<semaphore_mem>>) src(%dma_wait3A_37 : memref<50x100xi32, #tpu.memory_space<hbm>>) dst(%arg6 : memref<50x100xi32, #tpu.memory_space<vmem>>)
      tpu.yield
    }) : () -> ()
    %scan3A_10 = arith.constant 0 : i32
    %scan3A_11 = arith.constant 0 : i32
    %scan3A_12 = arith.constant 50 : i32
    %scan3A_13 = arith.addi %scan3A_11, %scan3A_12 : i32
    %scan3A_14 = arith.constant 1 : i32
    %scan3A_15 = scf.for %scan3A_23 = %scan3A_11 to %scan3A_13 step %scan3A_14 iter_args(%scan3A_24 = %scan3A_10) -> (i32)  : i32 {
      "tpu.region"() ({
        %run_scoped3A_26 = tpu.sem_alloc : memref<!tpu.dma_semaphore, #tpu.memory_space<semaphore_mem>>
        %dma_start3A = arith.constant 0 : i32
        %dma_start3A_27 = tpu.memref_slice %arg6[%scan3A_23, %dma_start3A] : memref<50x100xi32, #tpu.memory_space<vmem>> -> memref<1x100xi32, #tpu.memory_space<vmem>>
        %dma_start3A_28 = tpu.memref_squeeze %dma_start3A_27 : memref<1x100xi32, #tpu.memory_space<vmem>> -> memref<100xi32, #tpu.memory_space<vmem>>
        %dma_start3A_29 = arith.constant 0 : i32
        %dma_start3A_30 = arith.constant 0 : i32
        %dma_start3A_31 = tpu.memref_slice %arg8[%dma_start3A_29, %dma_start3A_30] : memref<10000x128xf32, #tpu.memory_space<vmem_shared>> -> memref<10000x128xf32, #tpu.memory_space<vmem_shared>>
        tpu.enqueue_indirect_dma source(%arg7 : memref<100x128xf32, #tpu.memory_space<vmem>>) target(%dma_start3A_31 : memref<10000x128xf32, #tpu.memory_space<vmem_shared>>) offsets(%dma_start3A_28 : memref<100xi32, #tpu.memory_space<vmem>>) semaphore(%run_scoped3A_26 : memref<!tpu.dma_semaphore, #tpu.memory_space<semaphore_mem>>) {add = true}
        %dma_wait3A = arith.constant 0 : i32
        %dma_wait3A_32 = tpu.memref_slice %arg6[%scan3A_23, %dma_wait3A] : memref<50x100xi32, #tpu.memory_space<vmem>> -> memref<1x100xi32, #tpu.memory_space<vmem>>
        %dma_wait3A_33 = tpu.memref_squeeze %dma_wait3A_32 : memref<1x100xi32, #tpu.memory_space<vmem>> -> memref<100xi32, #tpu.memory_space<vmem>>
        %dma_wait3A_34 = arith.constant 0 : i32
        %dma_wait3A_35 = arith.constant 0 : i32
        %dma_wait3A_36 = tpu.memref_slice %arg8[%dma_wait3A_34, %dma_wait3A_35] : memref<10000x128xf32, #tpu.memory_space<vmem_shared>> -> memref<10000x128xf32, #tpu.memory_space<vmem_shared>>
        tpu.wait_indirect_dma semaphore(%run_scoped3A_26 : memref<!tpu.dma_semaphore, #tpu.memory_space<semaphore_mem>>) src(%arg7 : memref<100x128xf32, #tpu.memory_space<vmem>>) dst(%dma_wait3A_36 : memref<10000x128xf32, #tpu.memory_space<vmem_shared>>)
        tpu.yield
      }) : () -> ()
      %scan3A_25 = arith.constant 0 : i32
      scf.yield %scan3A_25 : i32
    }
    %scan3A_16 = arith.constant 50 : i32
    %barrier3A_17 = arith.constant 0 : index
    tpu.barrier barrier_id(%barrier3A_17)
    %lt3A_18 = arith.constant 10 : i32
    %lt3A_19 = arith.cmpi slt, %arg1, %lt3A_18 : i32
    %convert_element_type3A_20 = arith.extui %lt3A_19 : i1 to i32
    %cond3A_21 = arith.constant 0 : i32
    %cond3A_22 = arith.cmpi ne, %convert_element_type3A_20, %cond3A_21 : i32
    scf.if %cond3A_22 {
      %mul3A_23 = arith.constant 1000 : i32
      %mul3A_24 = arith.muli %arg1, %mul3A_23 : i32
      %mul3A_25 = arith.constant 10000 : i32
      %mul3A_26 = arith.muli %arg0, %mul3A_25 : i32
      %mul3A_27 = arith.constant 1000 : i32
      %mul3A_28 = arith.muli %arg1, %mul3A_27 : i32
      %add3A_29 = arith.addi %mul3A_26, %mul3A_28 : i32
      "tpu.region"() ({
        %run_scoped3A_30 = tpu.sem_alloc : memref<!tpu.dma_semaphore, #tpu.memory_space<semaphore_mem>>
        %dma_start3A = arith.constant 0 : i32
        %dma_start3A_31 = tpu.memref_slice %arg5[%add3A_29, %dma_start3A] : memref<20000x128xf32, #tpu.memory_space<hbm>> -> memref<1000x128xf32, #tpu.memory_space<hbm>>
        %dma_start3A_32 = arith.constant 0 : i32
        %dma_start3A_33 = tpu.memref_slice %arg8[%mul3A_24, %dma_start3A_32] : memref<10000x128xf32, #tpu.memory_space<vmem_shared>> -> memref<1000x128xf32, #tpu.memory_space<vmem_shared>>
        tpu.enqueue_dma source(%dma_start3A_33 : memref<1000x128xf32, #tpu.memory_space<vmem_shared>>) target(%dma_start3A_31 : memref<1000x128xf32, #tpu.memory_space<hbm>>) target_semaphore(%run_scoped3A_30 : memref<!tpu.dma_semaphore, #tpu.memory_space<semaphore_mem>>)
        %dma_wait3A = arith.constant 0 : i32
        %dma_wait3A_34 = tpu.memref_slice %arg5[%add3A_29, %dma_wait3A] : memref<20000x128xf32, #tpu.memory_space<hbm>> -> memref<1000x128xf32, #tpu.memory_space<hbm>>
        %dma_wait3A_35 = arith.constant 0 : i32
        %dma_wait3A_36 = tpu.memref_slice %arg8[%mul3A_24, %dma_wait3A_35] : memref<10000x128xf32, #tpu.memory_space<vmem_shared>> -> memref<1000x128xf32, #tpu.memory_space<vmem_shared>>
        tpu.wait_dma2 semaphore(%run_scoped3A_30 : memref<!tpu.dma_semaphore, #tpu.memory_space<semaphore_mem>>) src(%dma_wait3A_36 : memref<1000x128xf32, #tpu.memory_space<vmem_shared>>) dst(%dma_wait3A_34 : memref<1000x128xf32, #tpu.memory_space<hbm>>)
        tpu.yield
      }) : () -> ()
    } else {
    }
    return
  }
}

#map = affine_map<(d0, d1) -> (0, 0)>
#map1 = affine_map<(d0, d1) -> (0, 0, 0, 0)>
module attributes {stable_mosaic.version = 14 : i64} {
  func.func @_scatter_body(%arg0: i32, %arg1: i32, %arg2: memref<10000x128xf32, #tpu.memory_space<hbm>>, %arg3: memref<32x2x50x100xi32, #tpu.memory_space<hbm>>, %arg4: memref<32x2x50x100xi32, #tpu.memory_space<hbm>>, %arg5: memref<1000x128xf32, #tpu.memory_space<hbm>>, %arg6: memref<20000x128xf32, #tpu.memory_space<hbm>>, %arg7: memref<50x100xi32, #tpu.memory_space<vmem>>, %arg8: memref<50x100xi32, #tpu.memory_space<vmem>>, %arg9: memref<100x128xf32, #tpu.memory_space<vmem>>, %arg10: memref<100x128xf32, #tpu.memory_space<vmem>>, %arg11: memref<10000x128xf32, #tpu.memory_space<vmem_shared>>, %arg12: memref<!tpu.dma_semaphore, #tpu.memory_space<semaphore_mem>>, %arg13: memref<!tpu.dma_semaphore, #tpu.memory_space<semaphore_mem>>) attributes {dimension_semantics = [#tpu.dimension_semantics<core_parallel>, #tpu.dimension_semantics<subcore_parallel>], iteration_bounds = array<i64: 2, 16>, scalar_prefetch = 0 : i64, scratch_operands = 7 : i64, tpu.core_type = #tpu.core_type<sc_vector_subcore>, window_params = [{transform_indices = #map}, {transform_indices = #map1}, {transform_indices = #map1}, {transform_indices = #map}, {transform_indices = #map}]} {
    %mul3A = arith.constant 16 : i32
    %mul3A_0 = arith.muli %arg0, %mul3A : i32
    %add3A = arith.addi %mul3A_0, %arg1 : i32
    %lt3A = arith.constant 10 : i32
    %lt3A_1 = arith.cmpi slt, %arg1, %lt3A : i32
    %convert_element_type3A = arith.extui %lt3A_1 : i1 to i32
    %cond3A = arith.constant 0 : i32
    %cond3A_2 = arith.cmpi ne, %convert_element_type3A, %cond3A : i32
    scf.if %cond3A_2 {
      %mul3A_38 = arith.constant 1000 : i32
      %mul3A_39 = arith.muli %arg1, %mul3A_38 : i32
      "tpu.region"() ({
        %run_scoped3A_40 = tpu.sem_alloc : memref<!tpu.dma_semaphore, #tpu.memory_space<semaphore_mem>>
        %dma_start3A_41 = arith.constant 0 : i32
        %dma_start3A_42 = tpu.memref_slice %arg11[%mul3A_39, %dma_start3A_41] : memref<10000x128xf32, #tpu.memory_space<vmem_shared>> -> memref<1000x128xf32, #tpu.memory_space<vmem_shared>>
        tpu.enqueue_dma source(%arg5 : memref<1000x128xf32, #tpu.memory_space<hbm>>) target(%dma_start3A_42 : memref<1000x128xf32, #tpu.memory_space<vmem_shared>>) target_semaphore(%run_scoped3A_40 : memref<!tpu.dma_semaphore, #tpu.memory_space<semaphore_mem>>)
        %dma_wait3A = arith.constant 0 : i32
        %dma_wait3A_43 = tpu.memref_slice %arg11[%mul3A_39, %dma_wait3A] : memref<10000x128xf32, #tpu.memory_space<vmem_shared>> -> memref<1000x128xf32, #tpu.memory_space<vmem_shared>>
        tpu.wait_dma2 semaphore(%run_scoped3A_40 : memref<!tpu.dma_semaphore, #tpu.memory_space<semaphore_mem>>) src(%arg5 : memref<1000x128xf32, #tpu.memory_space<hbm>>) dst(%dma_wait3A_43 : memref<1000x128xf32, #tpu.memory_space<vmem_shared>>)
        tpu.yield
      }) : () -> ()
    } else {
    }
    %barrier3A = arith.constant 0 : index
    tpu.barrier barrier_id(%barrier3A)
    %run_scoped3A = arith.constant 0 : i32
    "tpu.region"() ({
      %run_scoped3A_38 = tpu.sem_alloc : memref<!tpu.dma_semaphore, #tpu.memory_space<semaphore_mem>>
      %dma_start3A_39 = arith.constant 0 : i32
      %dma_start3A_40 = arith.constant 0 : i32
      %dma_start3A_41 = tpu.memref_slice %arg3[%add3A, %run_scoped3A, %dma_start3A_39, %dma_start3A_40] : memref<32x2x50x100xi32, #tpu.memory_space<hbm>> -> memref<1x1x50x100xi32, #tpu.memory_space<hbm>>
      %dma_start3A_42 = tpu.memref_squeeze %dma_start3A_41 : memref<1x1x50x100xi32, #tpu.memory_space<hbm>> -> memref<50x100xi32, #tpu.memory_space<hbm>>
      %dma_start3A_43 = arith.constant 0 : i32
      %dma_start3A_44 = arith.constant 0 : i32
      %dma_start3A_45 = tpu.memref_slice %arg3[%add3A, %run_scoped3A, %dma_start3A_43, %dma_start3A_44] : memref<32x2x50x100xi32, #tpu.memory_space<hbm>> -> memref<1x1x50x100xi32, #tpu.memory_space<hbm>>
      %dma_start3A_46 = tpu.memref_squeeze %dma_start3A_45 : memref<1x1x50x100xi32, #tpu.memory_space<hbm>> -> memref<50x100xi32, #tpu.memory_space<hbm>>
      tpu.enqueue_dma source(%dma_start3A_46 : memref<50x100xi32, #tpu.memory_space<hbm>>) target(%arg7 : memref<50x100xi32, #tpu.memory_space<vmem>>) target_semaphore(%run_scoped3A_38 : memref<!tpu.dma_semaphore, #tpu.memory_space<semaphore_mem>>)
      %dma_wait3A = arith.constant 0 : i32
      %dma_wait3A_47 = arith.constant 0 : i32
      %dma_wait3A_48 = tpu.memref_slice %arg3[%add3A, %run_scoped3A, %dma_wait3A, %dma_wait3A_47] : memref<32x2x50x100xi32, #tpu.memory_space<hbm>> -> memref<1x1x50x100xi32, #tpu.memory_space<hbm>>
      %dma_wait3A_49 = tpu.memref_squeeze %dma_wait3A_48 : memref<1x1x50x100xi32, #tpu.memory_space<hbm>> -> memref<50x100xi32, #tpu.memory_space<hbm>>
      %dma_wait3A_50 = arith.constant 0 : i32
      %dma_wait3A_51 = arith.constant 0 : i32
      %dma_wait3A_52 = tpu.memref_slice %arg3[%add3A, %run_scoped3A, %dma_wait3A_50, %dma_wait3A_51] : memref<32x2x50x100xi32, #tpu.memory_space<hbm>> -> memref<1x1x50x100xi32, #tpu.memory_space<hbm>>
      %dma_wait3A_53 = tpu.memref_squeeze %dma_wait3A_52 : memref<1x1x50x100xi32, #tpu.memory_space<hbm>> -> memref<50x100xi32, #tpu.memory_space<hbm>>
      tpu.wait_dma2 semaphore(%run_scoped3A_38 : memref<!tpu.dma_semaphore, #tpu.memory_space<semaphore_mem>>) src(%dma_wait3A_53 : memref<50x100xi32, #tpu.memory_space<hbm>>) dst(%arg7 : memref<50x100xi32, #tpu.memory_space<vmem>>)
      tpu.yield
    }) : () -> ()
    %run_scoped3A_3 = arith.constant 0 : i32
    "tpu.region"() ({
      %run_scoped3A_38 = tpu.sem_alloc : memref<!tpu.dma_semaphore, #tpu.memory_space<semaphore_mem>>
      %dma_start3A_39 = arith.constant 0 : i32
      %dma_start3A_40 = arith.constant 0 : i32
      %dma_start3A_41 = tpu.memref_slice %arg4[%add3A, %run_scoped3A_3, %dma_start3A_39, %dma_start3A_40] : memref<32x2x50x100xi32, #tpu.memory_space<hbm>> -> memref<1x1x50x100xi32, #tpu.memory_space<hbm>>
      %dma_start3A_42 = tpu.memref_squeeze %dma_start3A_41 : memref<1x1x50x100xi32, #tpu.memory_space<hbm>> -> memref<50x100xi32, #tpu.memory_space<hbm>>
      %dma_start3A_43 = arith.constant 0 : i32
      %dma_start3A_44 = arith.constant 0 : i32
      %dma_start3A_45 = tpu.memref_slice %arg4[%add3A, %run_scoped3A_3, %dma_start3A_43, %dma_start3A_44] : memref<32x2x50x100xi32, #tpu.memory_space<hbm>> -> memref<1x1x50x100xi32, #tpu.memory_space<hbm>>
      %dma_start3A_46 = tpu.memref_squeeze %dma_start3A_45 : memref<1x1x50x100xi32, #tpu.memory_space<hbm>> -> memref<50x100xi32, #tpu.memory_space<hbm>>
      tpu.enqueue_dma source(%dma_start3A_46 : memref<50x100xi32, #tpu.memory_space<hbm>>) target(%arg8 : memref<50x100xi32, #tpu.memory_space<vmem>>) target_semaphore(%run_scoped3A_38 : memref<!tpu.dma_semaphore, #tpu.memory_space<semaphore_mem>>)
      %dma_wait3A = arith.constant 0 : i32
      %dma_wait3A_47 = arith.constant 0 : i32
      %dma_wait3A_48 = tpu.memref_slice %arg4[%add3A, %run_scoped3A_3, %dma_wait3A, %dma_wait3A_47] : memref<32x2x50x100xi32, #tpu.memory_space<hbm>> -> memref<1x1x50x100xi32, #tpu.memory_space<hbm>>
      %dma_wait3A_49 = tpu.memref_squeeze %dma_wait3A_48 : memref<1x1x50x100xi32, #tpu.memory_space<hbm>> -> memref<50x100xi32, #tpu.memory_space<hbm>>
      %dma_wait3A_50 = arith.constant 0 : i32
      %dma_wait3A_51 = arith.constant 0 : i32
      %dma_wait3A_52 = tpu.memref_slice %arg4[%add3A, %run_scoped3A_3, %dma_wait3A_50, %dma_wait3A_51] : memref<32x2x50x100xi32, #tpu.memory_space<hbm>> -> memref<1x1x50x100xi32, #tpu.memory_space<hbm>>
      %dma_wait3A_53 = tpu.memref_squeeze %dma_wait3A_52 : memref<1x1x50x100xi32, #tpu.memory_space<hbm>> -> memref<50x100xi32, #tpu.memory_space<hbm>>
      tpu.wait_dma2 semaphore(%run_scoped3A_38 : memref<!tpu.dma_semaphore, #tpu.memory_space<semaphore_mem>>) src(%dma_wait3A_53 : memref<50x100xi32, #tpu.memory_space<hbm>>) dst(%arg8 : memref<50x100xi32, #tpu.memory_space<vmem>>)
      tpu.yield
    }) : () -> ()
    %dma_start3A = arith.constant 0 : i32
    %dma_start3A_4 = arith.constant 0 : i32
    %dma_start3A_5 = tpu.memref_slice %arg7[%dma_start3A, %dma_start3A_4] : memref<50x100xi32, #tpu.memory_space<vmem>> -> memref<1x100xi32, #tpu.memory_space<vmem>>
    %dma_start3A_6 = tpu.memref_squeeze %dma_start3A_5 : memref<1x100xi32, #tpu.memory_space<vmem>> -> memref<100xi32, #tpu.memory_space<vmem>>
    %dma_start3A_7 = arith.constant 0 : i32
    %dma_start3A_8 = arith.constant 0 : i32
    %dma_start3A_9 = tpu.memref_slice %arg2[%dma_start3A_7, %dma_start3A_8] : memref<10000x128xf32, #tpu.memory_space<hbm>> -> memref<10000x128xf32, #tpu.memory_space<hbm>>
    tpu.enqueue_indirect_dma source(%dma_start3A_9 : memref<10000x128xf32, #tpu.memory_space<hbm>>) target(%arg9 : memref<100x128xf32, #tpu.memory_space<vmem>>) offsets(%dma_start3A_6 : memref<100xi32, #tpu.memory_space<vmem>>) semaphore(%arg12 : memref<!tpu.dma_semaphore, #tpu.memory_space<semaphore_mem>>)
    %scan3A = arith.constant 0 : i32
    %scan3A_10 = arith.constant 0 : i32
    %scan3A_11 = arith.constant 25 : i32
    %scan3A_12 = arith.addi %scan3A_10, %scan3A_11 : i32
    %scan3A_13 = arith.constant 1 : i32
    %scan3A_14 = scf.for %scan3A_38 = %scan3A_10 to %scan3A_12 step %scan3A_13 iter_args(%scan3A_39 = %scan3A) -> (i32)  : i32 {
      %mul3A_40 = arith.constant 2 : i32
      %mul3A_41 = arith.muli %mul3A_40, %scan3A_38 : i32
      %add3A_42 = arith.constant 1 : i32
      %add3A_43 = arith.addi %mul3A_41, %add3A_42 : i32
      %dma_start3A_44 = arith.constant 0 : i32
      %dma_start3A_45 = tpu.memref_slice %arg7[%add3A_43, %dma_start3A_44] : memref<50x100xi32, #tpu.memory_space<vmem>> -> memref<1x100xi32, #tpu.memory_space<vmem>>
      %dma_start3A_46 = tpu.memref_squeeze %dma_start3A_45 : memref<1x100xi32, #tpu.memory_space<vmem>> -> memref<100xi32, #tpu.memory_space<vmem>>
      %dma_start3A_47 = arith.constant 0 : i32
      %dma_start3A_48 = arith.constant 0 : i32
      %dma_start3A_49 = tpu.memref_slice %arg2[%dma_start3A_47, %dma_start3A_48] : memref<10000x128xf32, #tpu.memory_space<hbm>> -> memref<10000x128xf32, #tpu.memory_space<hbm>>
      tpu.enqueue_indirect_dma source(%dma_start3A_49 : memref<10000x128xf32, #tpu.memory_space<hbm>>) target(%arg10 : memref<100x128xf32, #tpu.memory_space<vmem>>) offsets(%dma_start3A_46 : memref<100xi32, #tpu.memory_space<vmem>>) semaphore(%arg13 : memref<!tpu.dma_semaphore, #tpu.memory_space<semaphore_mem>>)
      %dma_wait3A = arith.constant 0 : i32
      %dma_wait3A_50 = tpu.memref_slice %arg7[%mul3A_41, %dma_wait3A] : memref<50x100xi32, #tpu.memory_space<vmem>> -> memref<1x100xi32, #tpu.memory_space<vmem>>
      %dma_wait3A_51 = tpu.memref_squeeze %dma_wait3A_50 : memref<1x100xi32, #tpu.memory_space<vmem>> -> memref<100xi32, #tpu.memory_space<vmem>>
      %dma_wait3A_52 = arith.constant 0 : i32
      %dma_wait3A_53 = arith.constant 0 : i32
      %dma_wait3A_54 = tpu.memref_slice %arg2[%dma_wait3A_52, %dma_wait3A_53] : memref<10000x128xf32, #tpu.memory_space<hbm>> -> memref<10000x128xf32, #tpu.memory_space<hbm>>
      tpu.wait_indirect_dma semaphore(%arg12 : memref<!tpu.dma_semaphore, #tpu.memory_space<semaphore_mem>>) src(%dma_wait3A_54 : memref<10000x128xf32, #tpu.memory_space<hbm>>) dst(%arg9 : memref<100x128xf32, #tpu.memory_space<vmem>>)
      "tpu.region"() ({
        %run_scoped3A_73 = tpu.sem_alloc : memref<!tpu.dma_semaphore, #tpu.memory_space<semaphore_mem>>
        %dma_start3A_74 = arith.constant 0 : i32
        %dma_start3A_75 = tpu.memref_slice %arg8[%mul3A_41, %dma_start3A_74] : memref<50x100xi32, #tpu.memory_space<vmem>> -> memref<1x100xi32, #tpu.memory_space<vmem>>
        %dma_start3A_76 = tpu.memref_squeeze %dma_start3A_75 : memref<1x100xi32, #tpu.memory_space<vmem>> -> memref<100xi32, #tpu.memory_space<vmem>>
        %dma_start3A_77 = arith.constant 0 : i32
        %dma_start3A_78 = arith.constant 0 : i32
        %dma_start3A_79 = tpu.memref_slice %arg11[%dma_start3A_77, %dma_start3A_78] : memref<10000x128xf32, #tpu.memory_space<vmem_shared>> -> memref<10000x128xf32, #tpu.memory_space<vmem_shared>>
        tpu.enqueue_indirect_dma source(%arg9 : memref<100x128xf32, #tpu.memory_space<vmem>>) target(%dma_start3A_79 : memref<10000x128xf32, #tpu.memory_space<vmem_shared>>) offsets(%dma_start3A_76 : memref<100xi32, #tpu.memory_space<vmem>>) semaphore(%run_scoped3A_73 : memref<!tpu.dma_semaphore, #tpu.memory_space<semaphore_mem>>) {add = true}
        %dma_wait3A_80 = arith.constant 0 : i32
        %dma_wait3A_81 = tpu.memref_slice %arg8[%mul3A_41, %dma_wait3A_80] : memref<50x100xi32, #tpu.memory_space<vmem>> -> memref<1x100xi32, #tpu.memory_space<vmem>>
        %dma_wait3A_82 = tpu.memref_squeeze %dma_wait3A_81 : memref<1x100xi32, #tpu.memory_space<vmem>> -> memref<100xi32, #tpu.memory_space<vmem>>
        %dma_wait3A_83 = arith.constant 0 : i32
        %dma_wait3A_84 = arith.constant 0 : i32
        %dma_wait3A_85 = tpu.memref_slice %arg11[%dma_wait3A_83, %dma_wait3A_84] : memref<10000x128xf32, #tpu.memory_space<vmem_shared>> -> memref<10000x128xf32, #tpu.memory_space<vmem_shared>>
        tpu.wait_indirect_dma semaphore(%run_scoped3A_73 : memref<!tpu.dma_semaphore, #tpu.memory_space<semaphore_mem>>) src(%arg9 : memref<100x128xf32, #tpu.memory_space<vmem>>) dst(%dma_wait3A_85 : memref<10000x128xf32, #tpu.memory_space<vmem_shared>>)
        tpu.yield
      }) : () -> ()
      %add3A_55 = arith.constant 2 : i32
      %add3A_56 = arith.addi %mul3A_41, %add3A_55 : i32
      %lt3A_57 = arith.constant 50 : i32
      %lt3A_58 = arith.cmpi slt, %add3A_56, %lt3A_57 : i32
      %convert_element_type3A_59 = arith.extui %lt3A_58 : i1 to i32
      %cond3A_60 = arith.constant 0 : i32
      %cond3A_61 = arith.cmpi ne, %convert_element_type3A_59, %cond3A_60 : i32
      scf.if %cond3A_61 {
        %add3A_73 = arith.constant 2 : i32
        %add3A_74 = arith.addi %mul3A_41, %add3A_73 : i32
        %dma_start3A_75 = arith.constant 0 : i32
        %dma_start3A_76 = tpu.memref_slice %arg7[%add3A_74, %dma_start3A_75] : memref<50x100xi32, #tpu.memory_space<vmem>> -> memref<1x100xi32, #tpu.memory_space<vmem>>
        %dma_start3A_77 = tpu.memref_squeeze %dma_start3A_76 : memref<1x100xi32, #tpu.memory_space<vmem>> -> memref<100xi32, #tpu.memory_space<vmem>>
        %dma_start3A_78 = arith.constant 0 : i32
        %dma_start3A_79 = arith.constant 0 : i32
        %dma_start3A_80 = tpu.memref_slice %arg2[%dma_start3A_78, %dma_start3A_79] : memref<10000x128xf32, #tpu.memory_space<hbm>> -> memref<10000x128xf32, #tpu.memory_space<hbm>>
        tpu.enqueue_indirect_dma source(%dma_start3A_80 : memref<10000x128xf32, #tpu.memory_space<hbm>>) target(%arg9 : memref<100x128xf32, #tpu.memory_space<vmem>>) offsets(%dma_start3A_77 : memref<100xi32, #tpu.memory_space<vmem>>) semaphore(%arg12 : memref<!tpu.dma_semaphore, #tpu.memory_space<semaphore_mem>>)
      } else {
      }
      %add3A_62 = arith.constant 1 : i32
      %add3A_63 = arith.addi %mul3A_41, %add3A_62 : i32
      %dma_wait3A_64 = arith.constant 0 : i32
      %dma_wait3A_65 = tpu.memref_slice %arg7[%add3A_63, %dma_wait3A_64] : memref<50x100xi32, #tpu.memory_space<vmem>> -> memref<1x100xi32, #tpu.memory_space<vmem>>
      %dma_wait3A_66 = tpu.memref_squeeze %dma_wait3A_65 : memref<1x100xi32, #tpu.memory_space<vmem>> -> memref<100xi32, #tpu.memory_space<vmem>>
      %dma_wait3A_67 = arith.constant 0 : i32
      %dma_wait3A_68 = arith.constant 0 : i32
      %dma_wait3A_69 = tpu.memref_slice %arg2[%dma_wait3A_67, %dma_wait3A_68] : memref<10000x128xf32, #tpu.memory_space<hbm>> -> memref<10000x128xf32, #tpu.memory_space<hbm>>
      tpu.wait_indirect_dma semaphore(%arg13 : memref<!tpu.dma_semaphore, #tpu.memory_space<semaphore_mem>>) src(%dma_wait3A_69 : memref<10000x128xf32, #tpu.memory_space<hbm>>) dst(%arg10 : memref<100x128xf32, #tpu.memory_space<vmem>>)
      %add3A_70 = arith.constant 1 : i32
      %add3A_71 = arith.addi %mul3A_41, %add3A_70 : i32
      "tpu.region"() ({
        %run_scoped3A_73 = tpu.sem_alloc : memref<!tpu.dma_semaphore, #tpu.memory_space<semaphore_mem>>
        %dma_start3A_74 = arith.constant 0 : i32
        %dma_start3A_75 = tpu.memref_slice %arg8[%add3A_71, %dma_start3A_74] : memref<50x100xi32, #tpu.memory_space<vmem>> -> memref<1x100xi32, #tpu.memory_space<vmem>>
        %dma_start3A_76 = tpu.memref_squeeze %dma_start3A_75 : memref<1x100xi32, #tpu.memory_space<vmem>> -> memref<100xi32, #tpu.memory_space<vmem>>
        %dma_start3A_77 = arith.constant 0 : i32
        %dma_start3A_78 = arith.constant 0 : i32
        %dma_start3A_79 = tpu.memref_slice %arg11[%dma_start3A_77, %dma_start3A_78] : memref<10000x128xf32, #tpu.memory_space<vmem_shared>> -> memref<10000x128xf32, #tpu.memory_space<vmem_shared>>
        tpu.enqueue_indirect_dma source(%arg10 : memref<100x128xf32, #tpu.memory_space<vmem>>) target(%dma_start3A_79 : memref<10000x128xf32, #tpu.memory_space<vmem_shared>>) offsets(%dma_start3A_76 : memref<100xi32, #tpu.memory_space<vmem>>) semaphore(%run_scoped3A_73 : memref<!tpu.dma_semaphore, #tpu.memory_space<semaphore_mem>>) {add = true}
        %dma_wait3A_80 = arith.constant 0 : i32
        %dma_wait3A_81 = tpu.memref_slice %arg8[%add3A_71, %dma_wait3A_80] : memref<50x100xi32, #tpu.memory_space<vmem>> -> memref<1x100xi32, #tpu.memory_space<vmem>>
        %dma_wait3A_82 = tpu.memref_squeeze %dma_wait3A_81 : memref<1x100xi32, #tpu.memory_space<vmem>> -> memref<100xi32, #tpu.memory_space<vmem>>
        %dma_wait3A_83 = arith.constant 0 : i32
        %dma_wait3A_84 = arith.constant 0 : i32
        %dma_wait3A_85 = tpu.memref_slice %arg11[%dma_wait3A_83, %dma_wait3A_84] : memref<10000x128xf32, #tpu.memory_space<vmem_shared>> -> memref<10000x128xf32, #tpu.memory_space<vmem_shared>>
        tpu.wait_indirect_dma semaphore(%run_scoped3A_73 : memref<!tpu.dma_semaphore, #tpu.memory_space<semaphore_mem>>) src(%arg10 : memref<100x128xf32, #tpu.memory_space<vmem>>) dst(%dma_wait3A_85 : memref<10000x128xf32, #tpu.memory_space<vmem_shared>>)
        tpu.yield
      }) : () -> ()
      %scan3A_72 = arith.constant 0 : i32
      scf.yield %scan3A_72 : i32
    }
    %scan3A_15 = arith.constant 25 : i32
    %run_scoped3A_16 = arith.constant 1 : i32
    "tpu.region"() ({
      %run_scoped3A_38 = tpu.sem_alloc : memref<!tpu.dma_semaphore, #tpu.memory_space<semaphore_mem>>
      %dma_start3A_39 = arith.constant 0 : i32
      %dma_start3A_40 = arith.constant 0 : i32
      %dma_start3A_41 = tpu.memref_slice %arg3[%add3A, %run_scoped3A_16, %dma_start3A_39, %dma_start3A_40] : memref<32x2x50x100xi32, #tpu.memory_space<hbm>> -> memref<1x1x50x100xi32, #tpu.memory_space<hbm>>
      %dma_start3A_42 = tpu.memref_squeeze %dma_start3A_41 : memref<1x1x50x100xi32, #tpu.memory_space<hbm>> -> memref<50x100xi32, #tpu.memory_space<hbm>>
      %dma_start3A_43 = arith.constant 0 : i32
      %dma_start3A_44 = arith.constant 0 : i32
      %dma_start3A_45 = tpu.memref_slice %arg3[%add3A, %run_scoped3A_16, %dma_start3A_43, %dma_start3A_44] : memref<32x2x50x100xi32, #tpu.memory_space<hbm>> -> memref<1x1x50x100xi32, #tpu.memory_space<hbm>>
      %dma_start3A_46 = tpu.memref_squeeze %dma_start3A_45 : memref<1x1x50x100xi32, #tpu.memory_space<hbm>> -> memref<50x100xi32, #tpu.memory_space<hbm>>
      tpu.enqueue_dma source(%dma_start3A_46 : memref<50x100xi32, #tpu.memory_space<hbm>>) target(%arg7 : memref<50x100xi32, #tpu.memory_space<vmem>>) target_semaphore(%run_scoped3A_38 : memref<!tpu.dma_semaphore, #tpu.memory_space<semaphore_mem>>)
      %dma_wait3A = arith.constant 0 : i32
      %dma_wait3A_47 = arith.constant 0 : i32
      %dma_wait3A_48 = tpu.memref_slice %arg3[%add3A, %run_scoped3A_16, %dma_wait3A, %dma_wait3A_47] : memref<32x2x50x100xi32, #tpu.memory_space<hbm>> -> memref<1x1x50x100xi32, #tpu.memory_space<hbm>>
      %dma_wait3A_49 = tpu.memref_squeeze %dma_wait3A_48 : memref<1x1x50x100xi32, #tpu.memory_space<hbm>> -> memref<50x100xi32, #tpu.memory_space<hbm>>
      %dma_wait3A_50 = arith.constant 0 : i32
      %dma_wait3A_51 = arith.constant 0 : i32
      %dma_wait3A_52 = tpu.memref_slice %arg3[%add3A, %run_scoped3A_16, %dma_wait3A_50, %dma_wait3A_51] : memref<32x2x50x100xi32, #tpu.memory_space<hbm>> -> memref<1x1x50x100xi32, #tpu.memory_space<hbm>>
      %dma_wait3A_53 = tpu.memref_squeeze %dma_wait3A_52 : memref<1x1x50x100xi32, #tpu.memory_space<hbm>> -> memref<50x100xi32, #tpu.memory_space<hbm>>
      tpu.wait_dma2 semaphore(%run_scoped3A_38 : memref<!tpu.dma_semaphore, #tpu.memory_space<semaphore_mem>>) src(%dma_wait3A_53 : memref<50x100xi32, #tpu.memory_space<hbm>>) dst(%arg7 : memref<50x100xi32, #tpu.memory_space<vmem>>)
      tpu.yield
    }) : () -> ()
    %run_scoped3A_17 = arith.constant 1 : i32
    "tpu.region"() ({
      %run_scoped3A_38 = tpu.sem_alloc : memref<!tpu.dma_semaphore, #tpu.memory_space<semaphore_mem>>
      %dma_start3A_39 = arith.constant 0 : i32
      %dma_start3A_40 = arith.constant 0 : i32
      %dma_start3A_41 = tpu.memref_slice %arg4[%add3A, %run_scoped3A_17, %dma_start3A_39, %dma_start3A_40] : memref<32x2x50x100xi32, #tpu.memory_space<hbm>> -> memref<1x1x50x100xi32, #tpu.memory_space<hbm>>
      %dma_start3A_42 = tpu.memref_squeeze %dma_start3A_41 : memref<1x1x50x100xi32, #tpu.memory_space<hbm>> -> memref<50x100xi32, #tpu.memory_space<hbm>>
      %dma_start3A_43 = arith.constant 0 : i32
      %dma_start3A_44 = arith.constant 0 : i32
      %dma_start3A_45 = tpu.memref_slice %arg4[%add3A, %run_scoped3A_17, %dma_start3A_43, %dma_start3A_44] : memref<32x2x50x100xi32, #tpu.memory_space<hbm>> -> memref<1x1x50x100xi32, #tpu.memory_space<hbm>>
      %dma_start3A_46 = tpu.memref_squeeze %dma_start3A_45 : memref<1x1x50x100xi32, #tpu.memory_space<hbm>> -> memref<50x100xi32, #tpu.memory_space<hbm>>
      tpu.enqueue_dma source(%dma_start3A_46 : memref<50x100xi32, #tpu.memory_space<hbm>>) target(%arg8 : memref<50x100xi32, #tpu.memory_space<vmem>>) target_semaphore(%run_scoped3A_38 : memref<!tpu.dma_semaphore, #tpu.memory_space<semaphore_mem>>)
      %dma_wait3A = arith.constant 0 : i32
      %dma_wait3A_47 = arith.constant 0 : i32
      %dma_wait3A_48 = tpu.memref_slice %arg4[%add3A, %run_scoped3A_17, %dma_wait3A, %dma_wait3A_47] : memref<32x2x50x100xi32, #tpu.memory_space<hbm>> -> memref<1x1x50x100xi32, #tpu.memory_space<hbm>>
      %dma_wait3A_49 = tpu.memref_squeeze %dma_wait3A_48 : memref<1x1x50x100xi32, #tpu.memory_space<hbm>> -> memref<50x100xi32, #tpu.memory_space<hbm>>
      %dma_wait3A_50 = arith.constant 0 : i32
      %dma_wait3A_51 = arith.constant 0 : i32
      %dma_wait3A_52 = tpu.memref_slice %arg4[%add3A, %run_scoped3A_17, %dma_wait3A_50, %dma_wait3A_51] : memref<32x2x50x100xi32, #tpu.memory_space<hbm>> -> memref<1x1x50x100xi32, #tpu.memory_space<hbm>>
      %dma_wait3A_53 = tpu.memref_squeeze %dma_wait3A_52 : memref<1x1x50x100xi32, #tpu.memory_space<hbm>> -> memref<50x100xi32, #tpu.memory_space<hbm>>
      tpu.wait_dma2 semaphore(%run_scoped3A_38 : memref<!tpu.dma_semaphore, #tpu.memory_space<semaphore_mem>>) src(%dma_wait3A_53 : memref<50x100xi32, #tpu.memory_space<hbm>>) dst(%arg8 : memref<50x100xi32, #tpu.memory_space<vmem>>)
      tpu.yield
    }) : () -> ()
    %dma_start3A_18 = arith.constant 0 : i32
    %dma_start3A_19 = arith.constant 0 : i32
    %dma_start3A_20 = tpu.memref_slice %arg7[%dma_start3A_18, %dma_start3A_19] : memref<50x100xi32, #tpu.memory_space<vmem>> -> memref<1x100xi32, #tpu.memory_space<vmem>>
    %dma_start3A_21 = tpu.memref_squeeze %dma_start3A_20 : memref<1x100xi32, #tpu.memory_space<vmem>> -> memref<100xi32, #tpu.memory_space<vmem>>
    %dma_start3A_22 = arith.constant 0 : i32
    %dma_start3A_23 = arith.constant 0 : i32
    %dma_start3A_24 = tpu.memref_slice %arg2[%dma_start3A_22, %dma_start3A_23] : memref<10000x128xf32, #tpu.memory_space<hbm>> -> memref<10000x128xf32, #tpu.memory_space<hbm>>
    tpu.enqueue_indirect_dma source(%dma_start3A_24 : memref<10000x128xf32, #tpu.memory_space<hbm>>) target(%arg9 : memref<100x128xf32, #tpu.memory_space<vmem>>) offsets(%dma_start3A_21 : memref<100xi32, #tpu.memory_space<vmem>>) semaphore(%arg12 : memref<!tpu.dma_semaphore, #tpu.memory_space<semaphore_mem>>)
    %scan3A_25 = arith.constant 0 : i32
    %scan3A_26 = arith.constant 0 : i32
    %scan3A_27 = arith.constant 25 : i32
    %scan3A_28 = arith.addi %scan3A_26, %scan3A_27 : i32
    %scan3A_29 = arith.constant 1 : i32
    %scan3A_30 = scf.for %scan3A_38 = %scan3A_26 to %scan3A_28 step %scan3A_29 iter_args(%scan3A_39 = %scan3A_25) -> (i32)  : i32 {
      %mul3A_40 = arith.constant 2 : i32
      %mul3A_41 = arith.muli %mul3A_40, %scan3A_38 : i32
      %add3A_42 = arith.constant 1 : i32
      %add3A_43 = arith.addi %mul3A_41, %add3A_42 : i32
      %dma_start3A_44 = arith.constant 0 : i32
      %dma_start3A_45 = tpu.memref_slice %arg7[%add3A_43, %dma_start3A_44] : memref<50x100xi32, #tpu.memory_space<vmem>> -> memref<1x100xi32, #tpu.memory_space<vmem>>
      %dma_start3A_46 = tpu.memref_squeeze %dma_start3A_45 : memref<1x100xi32, #tpu.memory_space<vmem>> -> memref<100xi32, #tpu.memory_space<vmem>>
      %dma_start3A_47 = arith.constant 0 : i32
      %dma_start3A_48 = arith.constant 0 : i32
      %dma_start3A_49 = tpu.memref_slice %arg2[%dma_start3A_47, %dma_start3A_48] : memref<10000x128xf32, #tpu.memory_space<hbm>> -> memref<10000x128xf32, #tpu.memory_space<hbm>>
      tpu.enqueue_indirect_dma source(%dma_start3A_49 : memref<10000x128xf32, #tpu.memory_space<hbm>>) target(%arg10 : memref<100x128xf32, #tpu.memory_space<vmem>>) offsets(%dma_start3A_46 : memref<100xi32, #tpu.memory_space<vmem>>) semaphore(%arg13 : memref<!tpu.dma_semaphore, #tpu.memory_space<semaphore_mem>>)
      %dma_wait3A = arith.constant 0 : i32
      %dma_wait3A_50 = tpu.memref_slice %arg7[%mul3A_41, %dma_wait3A] : memref<50x100xi32, #tpu.memory_space<vmem>> -> memref<1x100xi32, #tpu.memory_space<vmem>>
      %dma_wait3A_51 = tpu.memref_squeeze %dma_wait3A_50 : memref<1x100xi32, #tpu.memory_space<vmem>> -> memref<100xi32, #tpu.memory_space<vmem>>
      %dma_wait3A_52 = arith.constant 0 : i32
      %dma_wait3A_53 = arith.constant 0 : i32
      %dma_wait3A_54 = tpu.memref_slice %arg2[%dma_wait3A_52, %dma_wait3A_53] : memref<10000x128xf32, #tpu.memory_space<hbm>> -> memref<10000x128xf32, #tpu.memory_space<hbm>>
      tpu.wait_indirect_dma semaphore(%arg12 : memref<!tpu.dma_semaphore, #tpu.memory_space<semaphore_mem>>) src(%dma_wait3A_54 : memref<10000x128xf32, #tpu.memory_space<hbm>>) dst(%arg9 : memref<100x128xf32, #tpu.memory_space<vmem>>)
      "tpu.region"() ({
        %run_scoped3A_73 = tpu.sem_alloc : memref<!tpu.dma_semaphore, #tpu.memory_space<semaphore_mem>>
        %dma_start3A_74 = arith.constant 0 : i32
        %dma_start3A_75 = tpu.memref_slice %arg8[%mul3A_41, %dma_start3A_74] : memref<50x100xi32, #tpu.memory_space<vmem>> -> memref<1x100xi32, #tpu.memory_space<vmem>>
        %dma_start3A_76 = tpu.memref_squeeze %dma_start3A_75 : memref<1x100xi32, #tpu.memory_space<vmem>> -> memref<100xi32, #tpu.memory_space<vmem>>
        %dma_start3A_77 = arith.constant 0 : i32
        %dma_start3A_78 = arith.constant 0 : i32
        %dma_start3A_79 = tpu.memref_slice %arg11[%dma_start3A_77, %dma_start3A_78] : memref<10000x128xf32, #tpu.memory_space<vmem_shared>> -> memref<10000x128xf32, #tpu.memory_space<vmem_shared>>
        tpu.enqueue_indirect_dma source(%arg9 : memref<100x128xf32, #tpu.memory_space<vmem>>) target(%dma_start3A_79 : memref<10000x128xf32, #tpu.memory_space<vmem_shared>>) offsets(%dma_start3A_76 : memref<100xi32, #tpu.memory_space<vmem>>) semaphore(%run_scoped3A_73 : memref<!tpu.dma_semaphore, #tpu.memory_space<semaphore_mem>>) {add = true}
        %dma_wait3A_80 = arith.constant 0 : i32
        %dma_wait3A_81 = tpu.memref_slice %arg8[%mul3A_41, %dma_wait3A_80] : memref<50x100xi32, #tpu.memory_space<vmem>> -> memref<1x100xi32, #tpu.memory_space<vmem>>
        %dma_wait3A_82 = tpu.memref_squeeze %dma_wait3A_81 : memref<1x100xi32, #tpu.memory_space<vmem>> -> memref<100xi32, #tpu.memory_space<vmem>>
        %dma_wait3A_83 = arith.constant 0 : i32
        %dma_wait3A_84 = arith.constant 0 : i32
        %dma_wait3A_85 = tpu.memref_slice %arg11[%dma_wait3A_83, %dma_wait3A_84] : memref<10000x128xf32, #tpu.memory_space<vmem_shared>> -> memref<10000x128xf32, #tpu.memory_space<vmem_shared>>
        tpu.wait_indirect_dma semaphore(%run_scoped3A_73 : memref<!tpu.dma_semaphore, #tpu.memory_space<semaphore_mem>>) src(%arg9 : memref<100x128xf32, #tpu.memory_space<vmem>>) dst(%dma_wait3A_85 : memref<10000x128xf32, #tpu.memory_space<vmem_shared>>)
        tpu.yield
      }) : () -> ()
      %add3A_55 = arith.constant 2 : i32
      %add3A_56 = arith.addi %mul3A_41, %add3A_55 : i32
      %lt3A_57 = arith.constant 50 : i32
      %lt3A_58 = arith.cmpi slt, %add3A_56, %lt3A_57 : i32
      %convert_element_type3A_59 = arith.extui %lt3A_58 : i1 to i32
      %cond3A_60 = arith.constant 0 : i32
      %cond3A_61 = arith.cmpi ne, %convert_element_type3A_59, %cond3A_60 : i32
      scf.if %cond3A_61 {
        %add3A_73 = arith.constant 2 : i32
        %add3A_74 = arith.addi %mul3A_41, %add3A_73 : i32
        %dma_start3A_75 = arith.constant 0 : i32
        %dma_start3A_76 = tpu.memref_slice %arg7[%add3A_74, %dma_start3A_75] : memref<50x100xi32, #tpu.memory_space<vmem>> -> memref<1x100xi32, #tpu.memory_space<vmem>>
        %dma_start3A_77 = tpu.memref_squeeze %dma_start3A_76 : memref<1x100xi32, #tpu.memory_space<vmem>> -> memref<100xi32, #tpu.memory_space<vmem>>
        %dma_start3A_78 = arith.constant 0 : i32
        %dma_start3A_79 = arith.constant 0 : i32
        %dma_start3A_80 = tpu.memref_slice %arg2[%dma_start3A_78, %dma_start3A_79] : memref<10000x128xf32, #tpu.memory_space<hbm>> -> memref<10000x128xf32, #tpu.memory_space<hbm>>
        tpu.enqueue_indirect_dma source(%dma_start3A_80 : memref<10000x128xf32, #tpu.memory_space<hbm>>) target(%arg9 : memref<100x128xf32, #tpu.memory_space<vmem>>) offsets(%dma_start3A_77 : memref<100xi32, #tpu.memory_space<vmem>>) semaphore(%arg12 : memref<!tpu.dma_semaphore, #tpu.memory_space<semaphore_mem>>)
      } else {
      }
      %add3A_62 = arith.constant 1 : i32
      %add3A_63 = arith.addi %mul3A_41, %add3A_62 : i32
      %dma_wait3A_64 = arith.constant 0 : i32
      %dma_wait3A_65 = tpu.memref_slice %arg7[%add3A_63, %dma_wait3A_64] : memref<50x100xi32, #tpu.memory_space<vmem>> -> memref<1x100xi32, #tpu.memory_space<vmem>>
      %dma_wait3A_66 = tpu.memref_squeeze %dma_wait3A_65 : memref<1x100xi32, #tpu.memory_space<vmem>> -> memref<100xi32, #tpu.memory_space<vmem>>
      %dma_wait3A_67 = arith.constant 0 : i32
      %dma_wait3A_68 = arith.constant 0 : i32
      %dma_wait3A_69 = tpu.memref_slice %arg2[%dma_wait3A_67, %dma_wait3A_68] : memref<10000x128xf32, #tpu.memory_space<hbm>> -> memref<10000x128xf32, #tpu.memory_space<hbm>>
      tpu.wait_indirect_dma semaphore(%arg13 : memref<!tpu.dma_semaphore, #tpu.memory_space<semaphore_mem>>) src(%dma_wait3A_69 : memref<10000x128xf32, #tpu.memory_space<hbm>>) dst(%arg10 : memref<100x128xf32, #tpu.memory_space<vmem>>)
      %add3A_70 = arith.constant 1 : i32
      %add3A_71 = arith.addi %mul3A_41, %add3A_70 : i32
      "tpu.region"() ({
        %run_scoped3A_73 = tpu.sem_alloc : memref<!tpu.dma_semaphore, #tpu.memory_space<semaphore_mem>>
        %dma_start3A_74 = arith.constant 0 : i32
        %dma_start3A_75 = tpu.memref_slice %arg8[%add3A_71, %dma_start3A_74] : memref<50x100xi32, #tpu.memory_space<vmem>> -> memref<1x100xi32, #tpu.memory_space<vmem>>
        %dma_start3A_76 = tpu.memref_squeeze %dma_start3A_75 : memref<1x100xi32, #tpu.memory_space<vmem>> -> memref<100xi32, #tpu.memory_space<vmem>>
        %dma_start3A_77 = arith.constant 0 : i32
        %dma_start3A_78 = arith.constant 0 : i32
        %dma_start3A_79 = tpu.memref_slice %arg11[%dma_start3A_77, %dma_start3A_78] : memref<10000x128xf32, #tpu.memory_space<vmem_shared>> -> memref<10000x128xf32, #tpu.memory_space<vmem_shared>>
        tpu.enqueue_indirect_dma source(%arg10 : memref<100x128xf32, #tpu.memory_space<vmem>>) target(%dma_start3A_79 : memref<10000x128xf32, #tpu.memory_space<vmem_shared>>) offsets(%dma_start3A_76 : memref<100xi32, #tpu.memory_space<vmem>>) semaphore(%run_scoped3A_73 : memref<!tpu.dma_semaphore, #tpu.memory_space<semaphore_mem>>) {add = true}
        %dma_wait3A_80 = arith.constant 0 : i32
        %dma_wait3A_81 = tpu.memref_slice %arg8[%add3A_71, %dma_wait3A_80] : memref<50x100xi32, #tpu.memory_space<vmem>> -> memref<1x100xi32, #tpu.memory_space<vmem>>
        %dma_wait3A_82 = tpu.memref_squeeze %dma_wait3A_81 : memref<1x100xi32, #tpu.memory_space<vmem>> -> memref<100xi32, #tpu.memory_space<vmem>>
        %dma_wait3A_83 = arith.constant 0 : i32
        %dma_wait3A_84 = arith.constant 0 : i32
        %dma_wait3A_85 = tpu.memref_slice %arg11[%dma_wait3A_83, %dma_wait3A_84] : memref<10000x128xf32, #tpu.memory_space<vmem_shared>> -> memref<10000x128xf32, #tpu.memory_space<vmem_shared>>
        tpu.wait_indirect_dma semaphore(%run_scoped3A_73 : memref<!tpu.dma_semaphore, #tpu.memory_space<semaphore_mem>>) src(%arg10 : memref<100x128xf32, #tpu.memory_space<vmem>>) dst(%dma_wait3A_85 : memref<10000x128xf32, #tpu.memory_space<vmem_shared>>)
        tpu.yield
      }) : () -> ()
      %scan3A_72 = arith.constant 0 : i32
      scf.yield %scan3A_72 : i32
    }
    %scan3A_31 = arith.constant 25 : i32
    %barrier3A_32 = arith.constant 0 : index
    tpu.barrier barrier_id(%barrier3A_32)
    %lt3A_33 = arith.constant 10 : i32
    %lt3A_34 = arith.cmpi slt, %arg1, %lt3A_33 : i32
    %convert_element_type3A_35 = arith.extui %lt3A_34 : i1 to i32
    %cond3A_36 = arith.constant 0 : i32
    %cond3A_37 = arith.cmpi ne, %convert_element_type3A_35, %cond3A_36 : i32
    scf.if %cond3A_37 {
      %mul3A_38 = arith.constant 1000 : i32
      %mul3A_39 = arith.muli %arg1, %mul3A_38 : i32
      %mul3A_40 = arith.constant 10000 : i32
      %mul3A_41 = arith.muli %arg0, %mul3A_40 : i32
      %mul3A_42 = arith.constant 1000 : i32
      %mul3A_43 = arith.muli %arg1, %mul3A_42 : i32
      %add3A_44 = arith.addi %mul3A_41, %mul3A_43 : i32
      "tpu.region"() ({
        %run_scoped3A_45 = tpu.sem_alloc : memref<!tpu.dma_semaphore, #tpu.memory_space<semaphore_mem>>
        %dma_start3A_46 = arith.constant 0 : i32
        %dma_start3A_47 = tpu.memref_slice %arg6[%add3A_44, %dma_start3A_46] : memref<20000x128xf32, #tpu.memory_space<hbm>> -> memref<1000x128xf32, #tpu.memory_space<hbm>>
        %dma_start3A_48 = arith.constant 0 : i32
        %dma_start3A_49 = tpu.memref_slice %arg11[%mul3A_39, %dma_start3A_48] : memref<10000x128xf32, #tpu.memory_space<vmem_shared>> -> memref<1000x128xf32, #tpu.memory_space<vmem_shared>>
        tpu.enqueue_dma source(%dma_start3A_49 : memref<1000x128xf32, #tpu.memory_space<vmem_shared>>) target(%dma_start3A_47 : memref<1000x128xf32, #tpu.memory_space<hbm>>) target_semaphore(%run_scoped3A_45 : memref<!tpu.dma_semaphore, #tpu.memory_space<semaphore_mem>>)
        %dma_wait3A = arith.constant 0 : i32
        %dma_wait3A_50 = tpu.memref_slice %arg6[%add3A_44, %dma_wait3A] : memref<20000x128xf32, #tpu.memory_space<hbm>> -> memref<1000x128xf32, #tpu.memory_space<hbm>>
        %dma_wait3A_51 = arith.constant 0 : i32
        %dma_wait3A_52 = tpu.memref_slice %arg11[%mul3A_39, %dma_wait3A_51] : memref<10000x128xf32, #tpu.memory_space<vmem_shared>> -> memref<1000x128xf32, #tpu.memory_space<vmem_shared>>
        tpu.wait_dma2 semaphore(%run_scoped3A_45 : memref<!tpu.dma_semaphore, #tpu.memory_space<semaphore_mem>>) src(%dma_wait3A_52 : memref<1000x128xf32, #tpu.memory_space<vmem_shared>>) dst(%dma_wait3A_50 : memref<1000x128xf32, #tpu.memory_space<hbm>>)
        tpu.yield
      }) : () -> ()
    } else {
    }
    return
  }
}

#map = affine_map<(d0, d1) -> (0, 0)>
#map1 = affine_map<(d0, d1) -> (0, 0, 0, 0)>
module attributes {stable_mosaic.version = 14 : i64} {
  func.func @_scatter_body(%arg0: i32, %arg1: i32, %arg2: memref<10000x128xf32, #tpu.memory_space<hbm>>, %arg3: memref<32x2x50x100xi32, #tpu.memory_space<hbm>>, %arg4: memref<32x2x50x100xi32, #tpu.memory_space<hbm>>, %arg5: memref<1000x128xf32, #tpu.memory_space<hbm>>, %arg6: memref<20000x128xf32, #tpu.memory_space<hbm>>, %arg7: memref<50x100xi32, #tpu.memory_space<vmem>>, %arg8: memref<50x100xi32, #tpu.memory_space<vmem>>, %arg9: memref<100x128xf32, #tpu.memory_space<vmem>>, %arg10: memref<100x128xf32, #tpu.memory_space<vmem>>, %arg11: memref<10000x128xf32, #tpu.memory_space<vmem_shared>>, %arg12: memref<!tpu.dma_semaphore, #tpu.memory_space<semaphore_mem>>, %arg13: memref<!tpu.dma_semaphore, #tpu.memory_space<semaphore_mem>>) attributes {dimension_semantics = [#tpu.dimension_semantics<core_parallel>, #tpu.dimension_semantics<subcore_parallel>], iteration_bounds = array<i64: 2, 16>, scalar_prefetch = 0 : i64, scratch_operands = 7 : i64, tpu.core_type = #tpu.core_type<sc_vector_subcore>, window_params = [{transform_indices = #map}, {transform_indices = #map1}, {transform_indices = #map1}, {transform_indices = #map}, {transform_indices = #map}]} {
    %mul3A = arith.constant 16 : i32
    %mul3A_0 = arith.muli %arg0, %mul3A : i32
    %add3A = arith.addi %mul3A_0, %arg1 : i32
    %lt3A = arith.constant 10 : i32
    %lt3A_1 = arith.cmpi slt, %arg1, %lt3A : i32
    %convert_element_type3A = arith.extui %lt3A_1 : i1 to i32
    %cond3A = arith.constant 0 : i32
    %cond3A_2 = arith.cmpi ne, %convert_element_type3A, %cond3A : i32
    scf.if %cond3A_2 {
      %mul3A_38 = arith.constant 1000 : i32
      %mul3A_39 = arith.muli %arg1, %mul3A_38 : i32
      "tpu.region"() ({
        %run_scoped3A_40 = tpu.sem_alloc : memref<!tpu.dma_semaphore, #tpu.memory_space<semaphore_mem>>
        %dma_start3A_41 = arith.constant 0 : i32
        %dma_start3A_42 = tpu.memref_slice %arg11[%mul3A_39, %dma_start3A_41] : memref<10000x128xf32, #tpu.memory_space<vmem_shared>> -> memref<1000x128xf32, #tpu.memory_space<vmem_shared>>
        tpu.enqueue_dma source(%arg5 : memref<1000x128xf32, #tpu.memory_space<hbm>>) target(%dma_start3A_42 : memref<1000x128xf32, #tpu.memory_space<vmem_shared>>) target_semaphore(%run_scoped3A_40 : memref<!tpu.dma_semaphore, #tpu.memory_space<semaphore_mem>>)
        %dma_wait3A = arith.constant 0 : i32
        %dma_wait3A_43 = tpu.memref_slice %arg11[%mul3A_39, %dma_wait3A] : memref<10000x128xf32, #tpu.memory_space<vmem_shared>> -> memref<1000x128xf32, #tpu.memory_space<vmem_shared>>
        tpu.wait_dma2 semaphore(%run_scoped3A_40 : memref<!tpu.dma_semaphore, #tpu.memory_space<semaphore_mem>>) src(%arg5 : memref<1000x128xf32, #tpu.memory_space<hbm>>) dst(%dma_wait3A_43 : memref<1000x128xf32, #tpu.memory_space<vmem_shared>>)
        tpu.yield
      }) : () -> ()
    } else {
    }
    %barrier3A = arith.constant 0 : index
    tpu.barrier barrier_id(%barrier3A)
    %run_scoped3A = arith.constant 0 : i32
    "tpu.region"() ({
      %run_scoped3A_38 = tpu.sem_alloc : memref<!tpu.dma_semaphore, #tpu.memory_space<semaphore_mem>>
      %dma_start3A_39 = arith.constant 0 : i32
      %dma_start3A_40 = arith.constant 0 : i32
      %dma_start3A_41 = tpu.memref_slice %arg3[%add3A, %run_scoped3A, %dma_start3A_39, %dma_start3A_40] : memref<32x2x50x100xi32, #tpu.memory_space<hbm>> -> memref<1x1x50x100xi32, #tpu.memory_space<hbm>>
      %dma_start3A_42 = tpu.memref_squeeze %dma_start3A_41 : memref<1x1x50x100xi32, #tpu.memory_space<hbm>> -> memref<50x100xi32, #tpu.memory_space<hbm>>
      %dma_start3A_43 = arith.constant 0 : i32
      %dma_start3A_44 = arith.constant 0 : i32
      %dma_start3A_45 = tpu.memref_slice %arg3[%add3A, %run_scoped3A, %dma_start3A_43, %dma_start3A_44] : memref<32x2x50x100xi32, #tpu.memory_space<hbm>> -> memref<1x1x50x100xi32, #tpu.memory_space<hbm>>
      %dma_start3A_46 = tpu.memref_squeeze %dma_start3A_45 : memref<1x1x50x100xi32, #tpu.memory_space<hbm>> -> memref<50x100xi32, #tpu.memory_space<hbm>>
      tpu.enqueue_dma source(%dma_start3A_46 : memref<50x100xi32, #tpu.memory_space<hbm>>) target(%arg7 : memref<50x100xi32, #tpu.memory_space<vmem>>) target_semaphore(%run_scoped3A_38 : memref<!tpu.dma_semaphore, #tpu.memory_space<semaphore_mem>>)
      %dma_wait3A = arith.constant 0 : i32
      %dma_wait3A_47 = arith.constant 0 : i32
      %dma_wait3A_48 = tpu.memref_slice %arg3[%add3A, %run_scoped3A, %dma_wait3A, %dma_wait3A_47] : memref<32x2x50x100xi32, #tpu.memory_space<hbm>> -> memref<1x1x50x100xi32, #tpu.memory_space<hbm>>
      %dma_wait3A_49 = tpu.memref_squeeze %dma_wait3A_48 : memref<1x1x50x100xi32, #tpu.memory_space<hbm>> -> memref<50x100xi32, #tpu.memory_space<hbm>>
      %dma_wait3A_50 = arith.constant 0 : i32
      %dma_wait3A_51 = arith.constant 0 : i32
      %dma_wait3A_52 = tpu.memref_slice %arg3[%add3A, %run_scoped3A, %dma_wait3A_50, %dma_wait3A_51] : memref<32x2x50x100xi32, #tpu.memory_space<hbm>> -> memref<1x1x50x100xi32, #tpu.memory_space<hbm>>
      %dma_wait3A_53 = tpu.memref_squeeze %dma_wait3A_52 : memref<1x1x50x100xi32, #tpu.memory_space<hbm>> -> memref<50x100xi32, #tpu.memory_space<hbm>>
      tpu.wait_dma2 semaphore(%run_scoped3A_38 : memref<!tpu.dma_semaphore, #tpu.memory_space<semaphore_mem>>) src(%dma_wait3A_53 : memref<50x100xi32, #tpu.memory_space<hbm>>) dst(%arg7 : memref<50x100xi32, #tpu.memory_space<vmem>>)
      tpu.yield
    }) : () -> ()
    %run_scoped3A_3 = arith.constant 0 : i32
    "tpu.region"() ({
      %run_scoped3A_38 = tpu.sem_alloc : memref<!tpu.dma_semaphore, #tpu.memory_space<semaphore_mem>>
      %dma_start3A_39 = arith.constant 0 : i32
      %dma_start3A_40 = arith.constant 0 : i32
      %dma_start3A_41 = tpu.memref_slice %arg4[%add3A, %run_scoped3A_3, %dma_start3A_39, %dma_start3A_40] : memref<32x2x50x100xi32, #tpu.memory_space<hbm>> -> memref<1x1x50x100xi32, #tpu.memory_space<hbm>>
      %dma_start3A_42 = tpu.memref_squeeze %dma_start3A_41 : memref<1x1x50x100xi32, #tpu.memory_space<hbm>> -> memref<50x100xi32, #tpu.memory_space<hbm>>
      %dma_start3A_43 = arith.constant 0 : i32
      %dma_start3A_44 = arith.constant 0 : i32
      %dma_start3A_45 = tpu.memref_slice %arg4[%add3A, %run_scoped3A_3, %dma_start3A_43, %dma_start3A_44] : memref<32x2x50x100xi32, #tpu.memory_space<hbm>> -> memref<1x1x50x100xi32, #tpu.memory_space<hbm>>
      %dma_start3A_46 = tpu.memref_squeeze %dma_start3A_45 : memref<1x1x50x100xi32, #tpu.memory_space<hbm>> -> memref<50x100xi32, #tpu.memory_space<hbm>>
      tpu.enqueue_dma source(%dma_start3A_46 : memref<50x100xi32, #tpu.memory_space<hbm>>) target(%arg8 : memref<50x100xi32, #tpu.memory_space<vmem>>) target_semaphore(%run_scoped3A_38 : memref<!tpu.dma_semaphore, #tpu.memory_space<semaphore_mem>>)
      %dma_wait3A = arith.constant 0 : i32
      %dma_wait3A_47 = arith.constant 0 : i32
      %dma_wait3A_48 = tpu.memref_slice %arg4[%add3A, %run_scoped3A_3, %dma_wait3A, %dma_wait3A_47] : memref<32x2x50x100xi32, #tpu.memory_space<hbm>> -> memref<1x1x50x100xi32, #tpu.memory_space<hbm>>
      %dma_wait3A_49 = tpu.memref_squeeze %dma_wait3A_48 : memref<1x1x50x100xi32, #tpu.memory_space<hbm>> -> memref<50x100xi32, #tpu.memory_space<hbm>>
      %dma_wait3A_50 = arith.constant 0 : i32
      %dma_wait3A_51 = arith.constant 0 : i32
      %dma_wait3A_52 = tpu.memref_slice %arg4[%add3A, %run_scoped3A_3, %dma_wait3A_50, %dma_wait3A_51] : memref<32x2x50x100xi32, #tpu.memory_space<hbm>> -> memref<1x1x50x100xi32, #tpu.memory_space<hbm>>
      %dma_wait3A_53 = tpu.memref_squeeze %dma_wait3A_52 : memref<1x1x50x100xi32, #tpu.memory_space<hbm>> -> memref<50x100xi32, #tpu.memory_space<hbm>>
      tpu.wait_dma2 semaphore(%run_scoped3A_38 : memref<!tpu.dma_semaphore, #tpu.memory_space<semaphore_mem>>) src(%dma_wait3A_53 : memref<50x100xi32, #tpu.memory_space<hbm>>) dst(%arg8 : memref<50x100xi32, #tpu.memory_space<vmem>>)
      tpu.yield
    }) : () -> ()
    %dma_start3A = arith.constant 0 : i32
    %dma_start3A_4 = arith.constant 0 : i32
    %dma_start3A_5 = tpu.memref_slice %arg7[%dma_start3A, %dma_start3A_4] : memref<50x100xi32, #tpu.memory_space<vmem>> -> memref<1x100xi32, #tpu.memory_space<vmem>>
    %dma_start3A_6 = tpu.memref_squeeze %dma_start3A_5 : memref<1x100xi32, #tpu.memory_space<vmem>> -> memref<100xi32, #tpu.memory_space<vmem>>
    %dma_start3A_7 = arith.constant 0 : i32
    %dma_start3A_8 = arith.constant 0 : i32
    %dma_start3A_9 = tpu.memref_slice %arg2[%dma_start3A_7, %dma_start3A_8] : memref<10000x128xf32, #tpu.memory_space<hbm>> -> memref<10000x128xf32, #tpu.memory_space<hbm>>
    tpu.enqueue_indirect_dma source(%dma_start3A_9 : memref<10000x128xf32, #tpu.memory_space<hbm>>) target(%arg9 : memref<100x128xf32, #tpu.memory_space<vmem>>) offsets(%dma_start3A_6 : memref<100xi32, #tpu.memory_space<vmem>>) semaphore(%arg12 : memref<!tpu.dma_semaphore, #tpu.memory_space<semaphore_mem>>)
    %scan3A = arith.constant 0 : i32
    %scan3A_10 = arith.constant 0 : i32
    %scan3A_11 = arith.constant 25 : i32
    %scan3A_12 = arith.addi %scan3A_10, %scan3A_11 : i32
    %scan3A_13 = arith.constant 1 : i32
    %scan3A_14 = scf.for %scan3A_38 = %scan3A_10 to %scan3A_12 step %scan3A_13 iter_args(%scan3A_39 = %scan3A) -> (i32)  : i32 {
      %mul3A_40 = arith.constant 2 : i32
      %mul3A_41 = arith.muli %mul3A_40, %scan3A_38 : i32
      %add3A_42 = arith.constant 1 : i32
      %add3A_43 = arith.addi %mul3A_41, %add3A_42 : i32
      %dma_start3A_44 = arith.constant 0 : i32
      %dma_start3A_45 = tpu.memref_slice %arg7[%add3A_43, %dma_start3A_44] : memref<50x100xi32, #tpu.memory_space<vmem>> -> memref<1x100xi32, #tpu.memory_space<vmem>>
      %dma_start3A_46 = tpu.memref_squeeze %dma_start3A_45 : memref<1x100xi32, #tpu.memory_space<vmem>> -> memref<100xi32, #tpu.memory_space<vmem>>
      %dma_start3A_47 = arith.constant 0 : i32
      %dma_start3A_48 = arith.constant 0 : i32
      %dma_start3A_49 = tpu.memref_slice %arg2[%dma_start3A_47, %dma_start3A_48] : memref<10000x128xf32, #tpu.memory_space<hbm>> -> memref<10000x128xf32, #tpu.memory_space<hbm>>
      tpu.enqueue_indirect_dma source(%dma_start3A_49 : memref<10000x128xf32, #tpu.memory_space<hbm>>) target(%arg10 : memref<100x128xf32, #tpu.memory_space<vmem>>) offsets(%dma_start3A_46 : memref<100xi32, #tpu.memory_space<vmem>>) semaphore(%arg13 : memref<!tpu.dma_semaphore, #tpu.memory_space<semaphore_mem>>)
      %dma_wait3A = arith.constant 0 : i32
      %dma_wait3A_50 = tpu.memref_slice %arg7[%mul3A_41, %dma_wait3A] : memref<50x100xi32, #tpu.memory_space<vmem>> -> memref<1x100xi32, #tpu.memory_space<vmem>>
      %dma_wait3A_51 = tpu.memref_squeeze %dma_wait3A_50 : memref<1x100xi32, #tpu.memory_space<vmem>> -> memref<100xi32, #tpu.memory_space<vmem>>
      %dma_wait3A_52 = arith.constant 0 : i32
      %dma_wait3A_53 = arith.constant 0 : i32
      %dma_wait3A_54 = tpu.memref_slice %arg2[%dma_wait3A_52, %dma_wait3A_53] : memref<10000x128xf32, #tpu.memory_space<hbm>> -> memref<10000x128xf32, #tpu.memory_space<hbm>>
      tpu.wait_indirect_dma semaphore(%arg12 : memref<!tpu.dma_semaphore, #tpu.memory_space<semaphore_mem>>) src(%dma_wait3A_54 : memref<10000x128xf32, #tpu.memory_space<hbm>>) dst(%arg9 : memref<100x128xf32, #tpu.memory_space<vmem>>)
      "tpu.region"() ({
        %run_scoped3A_73 = tpu.sem_alloc : memref<!tpu.dma_semaphore, #tpu.memory_space<semaphore_mem>>
        %dma_start3A_74 = arith.constant 0 : i32
        %dma_start3A_75 = tpu.memref_slice %arg8[%mul3A_41, %dma_start3A_74] : memref<50x100xi32, #tpu.memory_space<vmem>> -> memref<1x100xi32, #tpu.memory_space<vmem>>
        %dma_start3A_76 = tpu.memref_squeeze %dma_start3A_75 : memref<1x100xi32, #tpu.memory_space<vmem>> -> memref<100xi32, #tpu.memory_space<vmem>>
        %dma_start3A_77 = arith.constant 0 : i32
        %dma_start3A_78 = arith.constant 0 : i32
        %dma_start3A_79 = tpu.memref_slice %arg11[%dma_start3A_77, %dma_start3A_78] : memref<10000x128xf32, #tpu.memory_space<vmem_shared>> -> memref<10000x128xf32, #tpu.memory_space<vmem_shared>>
        tpu.enqueue_indirect_dma source(%arg9 : memref<100x128xf32, #tpu.memory_space<vmem>>) target(%dma_start3A_79 : memref<10000x128xf32, #tpu.memory_space<vmem_shared>>) offsets(%dma_start3A_76 : memref<100xi32, #tpu.memory_space<vmem>>) semaphore(%run_scoped3A_73 : memref<!tpu.dma_semaphore, #tpu.memory_space<semaphore_mem>>) {add = true}
        %dma_wait3A_80 = arith.constant 0 : i32
        %dma_wait3A_81 = tpu.memref_slice %arg8[%mul3A_41, %dma_wait3A_80] : memref<50x100xi32, #tpu.memory_space<vmem>> -> memref<1x100xi32, #tpu.memory_space<vmem>>
        %dma_wait3A_82 = tpu.memref_squeeze %dma_wait3A_81 : memref<1x100xi32, #tpu.memory_space<vmem>> -> memref<100xi32, #tpu.memory_space<vmem>>
        %dma_wait3A_83 = arith.constant 0 : i32
        %dma_wait3A_84 = arith.constant 0 : i32
        %dma_wait3A_85 = tpu.memref_slice %arg11[%dma_wait3A_83, %dma_wait3A_84] : memref<10000x128xf32, #tpu.memory_space<vmem_shared>> -> memref<10000x128xf32, #tpu.memory_space<vmem_shared>>
        tpu.wait_indirect_dma semaphore(%run_scoped3A_73 : memref<!tpu.dma_semaphore, #tpu.memory_space<semaphore_mem>>) src(%arg9 : memref<100x128xf32, #tpu.memory_space<vmem>>) dst(%dma_wait3A_85 : memref<10000x128xf32, #tpu.memory_space<vmem_shared>>)
        tpu.yield
      }) : () -> ()
      %add3A_55 = arith.constant 2 : i32
      %add3A_56 = arith.addi %mul3A_41, %add3A_55 : i32
      %lt3A_57 = arith.constant 50 : i32
      %lt3A_58 = arith.cmpi slt, %add3A_56, %lt3A_57 : i32
      %convert_element_type3A_59 = arith.extui %lt3A_58 : i1 to i32
      %cond3A_60 = arith.constant 0 : i32
      %cond3A_61 = arith.cmpi ne, %convert_element_type3A_59, %cond3A_60 : i32
      scf.if %cond3A_61 {
        %add3A_73 = arith.constant 2 : i32
        %add3A_74 = arith.addi %mul3A_41, %add3A_73 : i32
        %dma_start3A_75 = arith.constant 0 : i32
        %dma_start3A_76 = tpu.memref_slice %arg7[%add3A_74, %dma_start3A_75] : memref<50x100xi32, #tpu.memory_space<vmem>> -> memref<1x100xi32, #tpu.memory_space<vmem>>
        %dma_start3A_77 = tpu.memref_squeeze %dma_start3A_76 : memref<1x100xi32, #tpu.memory_space<vmem>> -> memref<100xi32, #tpu.memory_space<vmem>>
        %dma_start3A_78 = arith.constant 0 : i32
        %dma_start3A_79 = arith.constant 0 : i32
        %dma_start3A_80 = tpu.memref_slice %arg2[%dma_start3A_78, %dma_start3A_79] : memref<10000x128xf32, #tpu.memory_space<hbm>> -> memref<10000x128xf32, #tpu.memory_space<hbm>>
        tpu.enqueue_indirect_dma source(%dma_start3A_80 : memref<10000x128xf32, #tpu.memory_space<hbm>>) target(%arg9 : memref<100x128xf32, #tpu.memory_space<vmem>>) offsets(%dma_start3A_77 : memref<100xi32, #tpu.memory_space<vmem>>) semaphore(%arg12 : memref<!tpu.dma_semaphore, #tpu.memory_space<semaphore_mem>>)
      } else {
      }
      %add3A_62 = arith.constant 1 : i32
      %add3A_63 = arith.addi %mul3A_41, %add3A_62 : i32
      %dma_wait3A_64 = arith.constant 0 : i32
      %dma_wait3A_65 = tpu.memref_slice %arg7[%add3A_63, %dma_wait3A_64] : memref<50x100xi32, #tpu.memory_space<vmem>> -> memref<1x100xi32, #tpu.memory_space<vmem>>
      %dma_wait3A_66 = tpu.memref_squeeze %dma_wait3A_65 : memref<1x100xi32, #tpu.memory_space<vmem>> -> memref<100xi32, #tpu.memory_space<vmem>>
      %dma_wait3A_67 = arith.constant 0 : i32
      %dma_wait3A_68 = arith.constant 0 : i32
      %dma_wait3A_69 = tpu.memref_slice %arg2[%dma_wait3A_67, %dma_wait3A_68] : memref<10000x128xf32, #tpu.memory_space<hbm>> -> memref<10000x128xf32, #tpu.memory_space<hbm>>
      tpu.wait_indirect_dma semaphore(%arg13 : memref<!tpu.dma_semaphore, #tpu.memory_space<semaphore_mem>>) src(%dma_wait3A_69 : memref<10000x128xf32, #tpu.memory_space<hbm>>) dst(%arg10 : memref<100x128xf32, #tpu.memory_space<vmem>>)
      %add3A_70 = arith.constant 1 : i32
      %add3A_71 = arith.addi %mul3A_41, %add3A_70 : i32
      "tpu.region"() ({
        %run_scoped3A_73 = tpu.sem_alloc : memref<!tpu.dma_semaphore, #tpu.memory_space<semaphore_mem>>
        %dma_start3A_74 = arith.constant 0 : i32
        %dma_start3A_75 = tpu.memref_slice %arg8[%add3A_71, %dma_start3A_74] : memref<50x100xi32, #tpu.memory_space<vmem>> -> memref<1x100xi32, #tpu.memory_space<vmem>>
        %dma_start3A_76 = tpu.memref_squeeze %dma_start3A_75 : memref<1x100xi32, #tpu.memory_space<vmem>> -> memref<100xi32, #tpu.memory_space<vmem>>
        %dma_start3A_77 = arith.constant 0 : i32
        %dma_start3A_78 = arith.constant 0 : i32
        %dma_start3A_79 = tpu.memref_slice %arg11[%dma_start3A_77, %dma_start3A_78] : memref<10000x128xf32, #tpu.memory_space<vmem_shared>> -> memref<10000x128xf32, #tpu.memory_space<vmem_shared>>
        tpu.enqueue_indirect_dma source(%arg10 : memref<100x128xf32, #tpu.memory_space<vmem>>) target(%dma_start3A_79 : memref<10000x128xf32, #tpu.memory_space<vmem_shared>>) offsets(%dma_start3A_76 : memref<100xi32, #tpu.memory_space<vmem>>) semaphore(%run_scoped3A_73 : memref<!tpu.dma_semaphore, #tpu.memory_space<semaphore_mem>>) {add = true}
        %dma_wait3A_80 = arith.constant 0 : i32
        %dma_wait3A_81 = tpu.memref_slice %arg8[%add3A_71, %dma_wait3A_80] : memref<50x100xi32, #tpu.memory_space<vmem>> -> memref<1x100xi32, #tpu.memory_space<vmem>>
        %dma_wait3A_82 = tpu.memref_squeeze %dma_wait3A_81 : memref<1x100xi32, #tpu.memory_space<vmem>> -> memref<100xi32, #tpu.memory_space<vmem>>
        %dma_wait3A_83 = arith.constant 0 : i32
        %dma_wait3A_84 = arith.constant 0 : i32
        %dma_wait3A_85 = tpu.memref_slice %arg11[%dma_wait3A_83, %dma_wait3A_84] : memref<10000x128xf32, #tpu.memory_space<vmem_shared>> -> memref<10000x128xf32, #tpu.memory_space<vmem_shared>>
        tpu.wait_indirect_dma semaphore(%run_scoped3A_73 : memref<!tpu.dma_semaphore, #tpu.memory_space<semaphore_mem>>) src(%arg10 : memref<100x128xf32, #tpu.memory_space<vmem>>) dst(%dma_wait3A_85 : memref<10000x128xf32, #tpu.memory_space<vmem_shared>>)
        tpu.yield
      }) : () -> ()
      %scan3A_72 = arith.constant 0 : i32
      scf.yield %scan3A_72 : i32
    }
    %scan3A_15 = arith.constant 25 : i32
    %run_scoped3A_16 = arith.constant 1 : i32
    "tpu.region"() ({
      %run_scoped3A_38 = tpu.sem_alloc : memref<!tpu.dma_semaphore, #tpu.memory_space<semaphore_mem>>
      %dma_start3A_39 = arith.constant 0 : i32
      %dma_start3A_40 = arith.constant 0 : i32
      %dma_start3A_41 = tpu.memref_slice %arg3[%add3A, %run_scoped3A_16, %dma_start3A_39, %dma_start3A_40] : memref<32x2x50x100xi32, #tpu.memory_space<hbm>> -> memref<1x1x50x100xi32, #tpu.memory_space<hbm>>
      %dma_start3A_42 = tpu.memref_squeeze %dma_start3A_41 : memref<1x1x50x100xi32, #tpu.memory_space<hbm>> -> memref<50x100xi32, #tpu.memory_space<hbm>>
      %dma_start3A_43 = arith.constant 0 : i32
      %dma_start3A_44 = arith.constant 0 : i32
      %dma_start3A_45 = tpu.memref_slice %arg3[%add3A, %run_scoped3A_16, %dma_start3A_43, %dma_start3A_44] : memref<32x2x50x100xi32, #tpu.memory_space<hbm>> -> memref<1x1x50x100xi32, #tpu.memory_space<hbm>>
      %dma_start3A_46 = tpu.memref_squeeze %dma_start3A_45 : memref<1x1x50x100xi32, #tpu.memory_space<hbm>> -> memref<50x100xi32, #tpu.memory_space<hbm>>
      tpu.enqueue_dma source(%dma_start3A_46 : memref<50x100xi32, #tpu.memory_space<hbm>>) target(%arg7 : memref<50x100xi32, #tpu.memory_space<vmem>>) target_semaphore(%run_scoped3A_38 : memref<!tpu.dma_semaphore, #tpu.memory_space<semaphore_mem>>)
      %dma_wait3A = arith.constant 0 : i32
      %dma_wait3A_47 = arith.constant 0 : i32
      %dma_wait3A_48 = tpu.memref_slice %arg3[%add3A, %run_scoped3A_16, %dma_wait3A, %dma_wait3A_47] : memref<32x2x50x100xi32, #tpu.memory_space<hbm>> -> memref<1x1x50x100xi32, #tpu.memory_space<hbm>>
      %dma_wait3A_49 = tpu.memref_squeeze %dma_wait3A_48 : memref<1x1x50x100xi32, #tpu.memory_space<hbm>> -> memref<50x100xi32, #tpu.memory_space<hbm>>
      %dma_wait3A_50 = arith.constant 0 : i32
      %dma_wait3A_51 = arith.constant 0 : i32
      %dma_wait3A_52 = tpu.memref_slice %arg3[%add3A, %run_scoped3A_16, %dma_wait3A_50, %dma_wait3A_51] : memref<32x2x50x100xi32, #tpu.memory_space<hbm>> -> memref<1x1x50x100xi32, #tpu.memory_space<hbm>>
      %dma_wait3A_53 = tpu.memref_squeeze %dma_wait3A_52 : memref<1x1x50x100xi32, #tpu.memory_space<hbm>> -> memref<50x100xi32, #tpu.memory_space<hbm>>
      tpu.wait_dma2 semaphore(%run_scoped3A_38 : memref<!tpu.dma_semaphore, #tpu.memory_space<semaphore_mem>>) src(%dma_wait3A_53 : memref<50x100xi32, #tpu.memory_space<hbm>>) dst(%arg7 : memref<50x100xi32, #tpu.memory_space<vmem>>)
      tpu.yield
    }) : () -> ()
    %run_scoped3A_17 = arith.constant 1 : i32
    "tpu.region"() ({
      %run_scoped3A_38 = tpu.sem_alloc : memref<!tpu.dma_semaphore, #tpu.memory_space<semaphore_mem>>
      %dma_start3A_39 = arith.constant 0 : i32
      %dma_start3A_40 = arith.constant 0 : i32
      %dma_start3A_41 = tpu.memref_slice %arg4[%add3A, %run_scoped3A_17, %dma_start3A_39, %dma_start3A_40] : memref<32x2x50x100xi32, #tpu.memory_space<hbm>> -> memref<1x1x50x100xi32, #tpu.memory_space<hbm>>
      %dma_start3A_42 = tpu.memref_squeeze %dma_start3A_41 : memref<1x1x50x100xi32, #tpu.memory_space<hbm>> -> memref<50x100xi32, #tpu.memory_space<hbm>>
      %dma_start3A_43 = arith.constant 0 : i32
      %dma_start3A_44 = arith.constant 0 : i32
      %dma_start3A_45 = tpu.memref_slice %arg4[%add3A, %run_scoped3A_17, %dma_start3A_43, %dma_start3A_44] : memref<32x2x50x100xi32, #tpu.memory_space<hbm>> -> memref<1x1x50x100xi32, #tpu.memory_space<hbm>>
      %dma_start3A_46 = tpu.memref_squeeze %dma_start3A_45 : memref<1x1x50x100xi32, #tpu.memory_space<hbm>> -> memref<50x100xi32, #tpu.memory_space<hbm>>
      tpu.enqueue_dma source(%dma_start3A_46 : memref<50x100xi32, #tpu.memory_space<hbm>>) target(%arg8 : memref<50x100xi32, #tpu.memory_space<vmem>>) target_semaphore(%run_scoped3A_38 : memref<!tpu.dma_semaphore, #tpu.memory_space<semaphore_mem>>)
      %dma_wait3A = arith.constant 0 : i32
      %dma_wait3A_47 = arith.constant 0 : i32
      %dma_wait3A_48 = tpu.memref_slice %arg4[%add3A, %run_scoped3A_17, %dma_wait3A, %dma_wait3A_47] : memref<32x2x50x100xi32, #tpu.memory_space<hbm>> -> memref<1x1x50x100xi32, #tpu.memory_space<hbm>>
      %dma_wait3A_49 = tpu.memref_squeeze %dma_wait3A_48 : memref<1x1x50x100xi32, #tpu.memory_space<hbm>> -> memref<50x100xi32, #tpu.memory_space<hbm>>
      %dma_wait3A_50 = arith.constant 0 : i32
      %dma_wait3A_51 = arith.constant 0 : i32
      %dma_wait3A_52 = tpu.memref_slice %arg4[%add3A, %run_scoped3A_17, %dma_wait3A_50, %dma_wait3A_51] : memref<32x2x50x100xi32, #tpu.memory_space<hbm>> -> memref<1x1x50x100xi32, #tpu.memory_space<hbm>>
      %dma_wait3A_53 = tpu.memref_squeeze %dma_wait3A_52 : memref<1x1x50x100xi32, #tpu.memory_space<hbm>> -> memref<50x100xi32, #tpu.memory_space<hbm>>
      tpu.wait_dma2 semaphore(%run_scoped3A_38 : memref<!tpu.dma_semaphore, #tpu.memory_space<semaphore_mem>>) src(%dma_wait3A_53 : memref<50x100xi32, #tpu.memory_space<hbm>>) dst(%arg8 : memref<50x100xi32, #tpu.memory_space<vmem>>)
      tpu.yield
    }) : () -> ()
    %dma_start3A_18 = arith.constant 0 : i32
    %dma_start3A_19 = arith.constant 0 : i32
    %dma_start3A_20 = tpu.memref_slice %arg7[%dma_start3A_18, %dma_start3A_19] : memref<50x100xi32, #tpu.memory_space<vmem>> -> memref<1x100xi32, #tpu.memory_space<vmem>>
    %dma_start3A_21 = tpu.memref_squeeze %dma_start3A_20 : memref<1x100xi32, #tpu.memory_space<vmem>> -> memref<100xi32, #tpu.memory_space<vmem>>
    %dma_start3A_22 = arith.constant 0 : i32
    %dma_start3A_23 = arith.constant 0 : i32
    %dma_start3A_24 = tpu.memref_slice %arg2[%dma_start3A_22, %dma_start3A_23] : memref<10000x128xf32, #tpu.memory_space<hbm>> -> memref<10000x128xf32, #tpu.memory_space<hbm>>
    tpu.enqueue_indirect_dma source(%dma_start3A_24 : memref<10000x128xf32, #tpu.memory_space<hbm>>) target(%arg9 : memref<100x128xf32, #tpu.memory_space<vmem>>) offsets(%dma_start3A_21 : memref<100xi32, #tpu.memory_space<vmem>>) semaphore(%arg12 : memref<!tpu.dma_semaphore, #tpu.memory_space<semaphore_mem>>)
    %scan3A_25 = arith.constant 0 : i32
    %scan3A_26 = arith.constant 0 : i32
    %scan3A_27 = arith.constant 25 : i32
    %scan3A_28 = arith.addi %scan3A_26, %scan3A_27 : i32
    %scan3A_29 = arith.constant 1 : i32
    %scan3A_30 = scf.for %scan3A_38 = %scan3A_26 to %scan3A_28 step %scan3A_29 iter_args(%scan3A_39 = %scan3A_25) -> (i32)  : i32 {
      %mul3A_40 = arith.constant 2 : i32
      %mul3A_41 = arith.muli %mul3A_40, %scan3A_38 : i32
      %add3A_42 = arith.constant 1 : i32
      %add3A_43 = arith.addi %mul3A_41, %add3A_42 : i32
      %dma_start3A_44 = arith.constant 0 : i32
      %dma_start3A_45 = tpu.memref_slice %arg7[%add3A_43, %dma_start3A_44] : memref<50x100xi32, #tpu.memory_space<vmem>> -> memref<1x100xi32, #tpu.memory_space<vmem>>
      %dma_start3A_46 = tpu.memref_squeeze %dma_start3A_45 : memref<1x100xi32, #tpu.memory_space<vmem>> -> memref<100xi32, #tpu.memory_space<vmem>>
      %dma_start3A_47 = arith.constant 0 : i32
      %dma_start3A_48 = arith.constant 0 : i32
      %dma_start3A_49 = tpu.memref_slice %arg2[%dma_start3A_47, %dma_start3A_48] : memref<10000x128xf32, #tpu.memory_space<hbm>> -> memref<10000x128xf32, #tpu.memory_space<hbm>>
      tpu.enqueue_indirect_dma source(%dma_start3A_49 : memref<10000x128xf32, #tpu.memory_space<hbm>>) target(%arg10 : memref<100x128xf32, #tpu.memory_space<vmem>>) offsets(%dma_start3A_46 : memref<100xi32, #tpu.memory_space<vmem>>) semaphore(%arg13 : memref<!tpu.dma_semaphore, #tpu.memory_space<semaphore_mem>>)
      %dma_wait3A = arith.constant 0 : i32
      %dma_wait3A_50 = tpu.memref_slice %arg7[%mul3A_41, %dma_wait3A] : memref<50x100xi32, #tpu.memory_space<vmem>> -> memref<1x100xi32, #tpu.memory_space<vmem>>
      %dma_wait3A_51 = tpu.memref_squeeze %dma_wait3A_50 : memref<1x100xi32, #tpu.memory_space<vmem>> -> memref<100xi32, #tpu.memory_space<vmem>>
      %dma_wait3A_52 = arith.constant 0 : i32
      %dma_wait3A_53 = arith.constant 0 : i32
      %dma_wait3A_54 = tpu.memref_slice %arg2[%dma_wait3A_52, %dma_wait3A_53] : memref<10000x128xf32, #tpu.memory_space<hbm>> -> memref<10000x128xf32, #tpu.memory_space<hbm>>
      tpu.wait_indirect_dma semaphore(%arg12 : memref<!tpu.dma_semaphore, #tpu.memory_space<semaphore_mem>>) src(%dma_wait3A_54 : memref<10000x128xf32, #tpu.memory_space<hbm>>) dst(%arg9 : memref<100x128xf32, #tpu.memory_space<vmem>>)
      "tpu.region"() ({
        %run_scoped3A_73 = tpu.sem_alloc : memref<!tpu.dma_semaphore, #tpu.memory_space<semaphore_mem>>
        %dma_start3A_74 = arith.constant 0 : i32
        %dma_start3A_75 = tpu.memref_slice %arg8[%mul3A_41, %dma_start3A_74] : memref<50x100xi32, #tpu.memory_space<vmem>> -> memref<1x100xi32, #tpu.memory_space<vmem>>
        %dma_start3A_76 = tpu.memref_squeeze %dma_start3A_75 : memref<1x100xi32, #tpu.memory_space<vmem>> -> memref<100xi32, #tpu.memory_space<vmem>>
        %dma_start3A_77 = arith.constant 0 : i32
        %dma_start3A_78 = arith.constant 0 : i32
        %dma_start3A_79 = tpu.memref_slice %arg11[%dma_start3A_77, %dma_start3A_78] : memref<10000x128xf32, #tpu.memory_space<vmem_shared>> -> memref<10000x128xf32, #tpu.memory_space<vmem_shared>>
        tpu.enqueue_indirect_dma source(%arg9 : memref<100x128xf32, #tpu.memory_space<vmem>>) target(%dma_start3A_79 : memref<10000x128xf32, #tpu.memory_space<vmem_shared>>) offsets(%dma_start3A_76 : memref<100xi32, #tpu.memory_space<vmem>>) semaphore(%run_scoped3A_73 : memref<!tpu.dma_semaphore, #tpu.memory_space<semaphore_mem>>) {add = true}
        %dma_wait3A_80 = arith.constant 0 : i32
        %dma_wait3A_81 = tpu.memref_slice %arg8[%mul3A_41, %dma_wait3A_80] : memref<50x100xi32, #tpu.memory_space<vmem>> -> memref<1x100xi32, #tpu.memory_space<vmem>>
        %dma_wait3A_82 = tpu.memref_squeeze %dma_wait3A_81 : memref<1x100xi32, #tpu.memory_space<vmem>> -> memref<100xi32, #tpu.memory_space<vmem>>
        %dma_wait3A_83 = arith.constant 0 : i32
        %dma_wait3A_84 = arith.constant 0 : i32
        %dma_wait3A_85 = tpu.memref_slice %arg11[%dma_wait3A_83, %dma_wait3A_84] : memref<10000x128xf32, #tpu.memory_space<vmem_shared>> -> memref<10000x128xf32, #tpu.memory_space<vmem_shared>>
        tpu.wait_indirect_dma semaphore(%run_scoped3A_73 : memref<!tpu.dma_semaphore, #tpu.memory_space<semaphore_mem>>) src(%arg9 : memref<100x128xf32, #tpu.memory_space<vmem>>) dst(%dma_wait3A_85 : memref<10000x128xf32, #tpu.memory_space<vmem_shared>>)
        tpu.yield
      }) : () -> ()
      %add3A_55 = arith.constant 2 : i32
      %add3A_56 = arith.addi %mul3A_41, %add3A_55 : i32
      %lt3A_57 = arith.constant 50 : i32
      %lt3A_58 = arith.cmpi slt, %add3A_56, %lt3A_57 : i32
      %convert_element_type3A_59 = arith.extui %lt3A_58 : i1 to i32
      %cond3A_60 = arith.constant 0 : i32
      %cond3A_61 = arith.cmpi ne, %convert_element_type3A_59, %cond3A_60 : i32
      scf.if %cond3A_61 {
        %add3A_73 = arith.constant 2 : i32
        %add3A_74 = arith.addi %mul3A_41, %add3A_73 : i32
        %dma_start3A_75 = arith.constant 0 : i32
        %dma_start3A_76 = tpu.memref_slice %arg7[%add3A_74, %dma_start3A_75] : memref<50x100xi32, #tpu.memory_space<vmem>> -> memref<1x100xi32, #tpu.memory_space<vmem>>
        %dma_start3A_77 = tpu.memref_squeeze %dma_start3A_76 : memref<1x100xi32, #tpu.memory_space<vmem>> -> memref<100xi32, #tpu.memory_space<vmem>>
        %dma_start3A_78 = arith.constant 0 : i32
        %dma_start3A_79 = arith.constant 0 : i32
        %dma_start3A_80 = tpu.memref_slice %arg2[%dma_start3A_78, %dma_start3A_79] : memref<10000x128xf32, #tpu.memory_space<hbm>> -> memref<10000x128xf32, #tpu.memory_space<hbm>>
        tpu.enqueue_indirect_dma source(%dma_start3A_80 : memref<10000x128xf32, #tpu.memory_space<hbm>>) target(%arg9 : memref<100x128xf32, #tpu.memory_space<vmem>>) offsets(%dma_start3A_77 : memref<100xi32, #tpu.memory_space<vmem>>) semaphore(%arg12 : memref<!tpu.dma_semaphore, #tpu.memory_space<semaphore_mem>>)
      } else {
      }
      %add3A_62 = arith.constant 1 : i32
      %add3A_63 = arith.addi %mul3A_41, %add3A_62 : i32
      %dma_wait3A_64 = arith.constant 0 : i32
      %dma_wait3A_65 = tpu.memref_slice %arg7[%add3A_63, %dma_wait3A_64] : memref<50x100xi32, #tpu.memory_space<vmem>> -> memref<1x100xi32, #tpu.memory_space<vmem>>
      %dma_wait3A_66 = tpu.memref_squeeze %dma_wait3A_65 : memref<1x100xi32, #tpu.memory_space<vmem>> -> memref<100xi32, #tpu.memory_space<vmem>>
      %dma_wait3A_67 = arith.constant 0 : i32
      %dma_wait3A_68 = arith.constant 0 : i32
      %dma_wait3A_69 = tpu.memref_slice %arg2[%dma_wait3A_67, %dma_wait3A_68] : memref<10000x128xf32, #tpu.memory_space<hbm>> -> memref<10000x128xf32, #tpu.memory_space<hbm>>
      tpu.wait_indirect_dma semaphore(%arg13 : memref<!tpu.dma_semaphore, #tpu.memory_space<semaphore_mem>>) src(%dma_wait3A_69 : memref<10000x128xf32, #tpu.memory_space<hbm>>) dst(%arg10 : memref<100x128xf32, #tpu.memory_space<vmem>>)
      %add3A_70 = arith.constant 1 : i32
      %add3A_71 = arith.addi %mul3A_41, %add3A_70 : i32
      "tpu.region"() ({
        %run_scoped3A_73 = tpu.sem_alloc : memref<!tpu.dma_semaphore, #tpu.memory_space<semaphore_mem>>
        %dma_start3A_74 = arith.constant 0 : i32
        %dma_start3A_75 = tpu.memref_slice %arg8[%add3A_71, %dma_start3A_74] : memref<50x100xi32, #tpu.memory_space<vmem>> -> memref<1x100xi32, #tpu.memory_space<vmem>>
        %dma_start3A_76 = tpu.memref_squeeze %dma_start3A_75 : memref<1x100xi32, #tpu.memory_space<vmem>> -> memref<100xi32, #tpu.memory_space<vmem>>
        %dma_start3A_77 = arith.constant 0 : i32
        %dma_start3A_78 = arith.constant 0 : i32
        %dma_start3A_79 = tpu.memref_slice %arg11[%dma_start3A_77, %dma_start3A_78] : memref<10000x128xf32, #tpu.memory_space<vmem_shared>> -> memref<10000x128xf32, #tpu.memory_space<vmem_shared>>
        tpu.enqueue_indirect_dma source(%arg10 : memref<100x128xf32, #tpu.memory_space<vmem>>) target(%dma_start3A_79 : memref<10000x128xf32, #tpu.memory_space<vmem_shared>>) offsets(%dma_start3A_76 : memref<100xi32, #tpu.memory_space<vmem>>) semaphore(%run_scoped3A_73 : memref<!tpu.dma_semaphore, #tpu.memory_space<semaphore_mem>>) {add = true}
        %dma_wait3A_80 = arith.constant 0 : i32
        %dma_wait3A_81 = tpu.memref_slice %arg8[%add3A_71, %dma_wait3A_80] : memref<50x100xi32, #tpu.memory_space<vmem>> -> memref<1x100xi32, #tpu.memory_space<vmem>>
        %dma_wait3A_82 = tpu.memref_squeeze %dma_wait3A_81 : memref<1x100xi32, #tpu.memory_space<vmem>> -> memref<100xi32, #tpu.memory_space<vmem>>
        %dma_wait3A_83 = arith.constant 0 : i32
        %dma_wait3A_84 = arith.constant 0 : i32
        %dma_wait3A_85 = tpu.memref_slice %arg11[%dma_wait3A_83, %dma_wait3A_84] : memref<10000x128xf32, #tpu.memory_space<vmem_shared>> -> memref<10000x128xf32, #tpu.memory_space<vmem_shared>>
        tpu.wait_indirect_dma semaphore(%run_scoped3A_73 : memref<!tpu.dma_semaphore, #tpu.memory_space<semaphore_mem>>) src(%arg10 : memref<100x128xf32, #tpu.memory_space<vmem>>) dst(%dma_wait3A_85 : memref<10000x128xf32, #tpu.memory_space<vmem_shared>>)
        tpu.yield
      }) : () -> ()
      %scan3A_72 = arith.constant 0 : i32
      scf.yield %scan3A_72 : i32
    }
    %scan3A_31 = arith.constant 25 : i32
    %barrier3A_32 = arith.constant 0 : index
    tpu.barrier barrier_id(%barrier3A_32)
    %lt3A_33 = arith.constant 10 : i32
    %lt3A_34 = arith.cmpi slt, %arg1, %lt3A_33 : i32
    %convert_element_type3A_35 = arith.extui %lt3A_34 : i1 to i32
    %cond3A_36 = arith.constant 0 : i32
    %cond3A_37 = arith.cmpi ne, %convert_element_type3A_35, %cond3A_36 : i32
    scf.if %cond3A_37 {
      %mul3A_38 = arith.constant 1000 : i32
      %mul3A_39 = arith.muli %arg1, %mul3A_38 : i32
      %mul3A_40 = arith.constant 10000 : i32
      %mul3A_41 = arith.muli %arg0, %mul3A_40 : i32
      %mul3A_42 = arith.constant 1000 : i32
      %mul3A_43 = arith.muli %arg1, %mul3A_42 : i32
      %add3A_44 = arith.addi %mul3A_41, %mul3A_43 : i32
      "tpu.region"() ({
        %run_scoped3A_45 = tpu.sem_alloc : memref<!tpu.dma_semaphore, #tpu.memory_space<semaphore_mem>>
        %dma_start3A_46 = arith.constant 0 : i32
        %dma_start3A_47 = tpu.memref_slice %arg6[%add3A_44, %dma_start3A_46] : memref<20000x128xf32, #tpu.memory_space<hbm>> -> memref<1000x128xf32, #tpu.memory_space<hbm>>
        %dma_start3A_48 = arith.constant 0 : i32
        %dma_start3A_49 = tpu.memref_slice %arg11[%mul3A_39, %dma_start3A_48] : memref<10000x128xf32, #tpu.memory_space<vmem_shared>> -> memref<1000x128xf32, #tpu.memory_space<vmem_shared>>
        tpu.enqueue_dma source(%dma_start3A_49 : memref<1000x128xf32, #tpu.memory_space<vmem_shared>>) target(%dma_start3A_47 : memref<1000x128xf32, #tpu.memory_space<hbm>>) target_semaphore(%run_scoped3A_45 : memref<!tpu.dma_semaphore, #tpu.memory_space<semaphore_mem>>)
        %dma_wait3A = arith.constant 0 : i32
        %dma_wait3A_50 = tpu.memref_slice %arg6[%add3A_44, %dma_wait3A] : memref<20000x128xf32, #tpu.memory_space<hbm>> -> memref<1000x128xf32, #tpu.memory_space<hbm>>
        %dma_wait3A_51 = arith.constant 0 : i32
        %dma_wait3A_52 = tpu.memref_slice %arg11[%mul3A_39, %dma_wait3A_51] : memref<10000x128xf32, #tpu.memory_space<vmem_shared>> -> memref<1000x128xf32, #tpu.memory_space<vmem_shared>>
        tpu.wait_dma2 semaphore(%run_scoped3A_45 : memref<!tpu.dma_semaphore, #tpu.memory_space<semaphore_mem>>) src(%dma_wait3A_52 : memref<1000x128xf32, #tpu.memory_space<vmem_shared>>) dst(%dma_wait3A_50 : memref<1000x128xf32, #tpu.memory_space<hbm>>)
        tpu.yield
      }) : () -> ()
    } else {
    }
    return
  }
}

module attributes {stable_mosaic.version = 14 : i64} {
  func.func @_mm_body(%arg0: i32, %arg1: memref<1000x128xf32, #tpu.memory_space<vmem>>, %arg2: memref<128x128xf32, #tpu.memory_space<vmem>>, %arg3: memref<1000x128xf32, #tpu.memory_space<vmem>>) attributes {dimension_semantics = [#tpu.dimension_semantics<arbitrary>], iteration_bounds = array<i64: 10>, scalar_prefetch = 0 : i64, scratch_operands = 0 : i64, tpu.core_type = #tpu.core_type<tc>, window_params = [{transform_indices = @transform_0, window_bounds = array<i64: 1000, 128>}, {pipeline_mode = #tpu.pipeline_mode<synchronous>, transform_indices = @transform_1, window_bounds = array<i64: 128, 128>}, {transform_indices = @transform_2, window_bounds = array<i64: 1000, 128>}]} {
    %get3A = arith.constant 0 : index
    %get3A_0 = arith.constant 0 : index
    %get3A_1 = vector.load %arg1[%get3A, %get3A_0] : memref<1000x128xf32, #tpu.memory_space<vmem>>, vector<1000x128xf32>
    %get3A_2 = arith.constant 0 : index
    %get3A_3 = arith.constant 0 : index
    %get3A_4 = vector.load %arg2[%get3A_2, %get3A_3] : memref<128x128xf32, #tpu.memory_space<vmem>>, vector<128x128xf32>
    %dot_general3A = arith.constant dense<0.000000e+00> : vector<1000x128xf32>
    %dot_general3A_5 = tpu.matmul %get3A_1, %get3A_4, %dot_general3A {dimension_numbers = #tpu.dot_dimension_numbers<[1], [0], [0], [1], [0, 0, 1, 1], [], []>, precision = #tpu.contract_precision<fp32>, transpose_lhs_hint = false} : vector<1000x128xf32>, vector<128x128xf32>, vector<1000x128xf32> -> vector<1000x128xf32>
    %swap3A = arith.constant 0 : index
    %swap3A_6 = arith.constant 0 : index
    %swap3A_7 = vector.load %arg3[%swap3A, %swap3A_6] : memref<1000x128xf32, #tpu.memory_space<vmem>>, vector<1000x128xf32>
    tpu.vector_store %arg3[%swap3A, %swap3A_6], %dot_general3A_5 {strides = array<i32>} : memref<1000x128xf32, #tpu.memory_space<vmem>>, vector<1000x128xf32>,
    return
  }
  func.func @transform_0(%arg0: i32) -> (i32, i32) {
    %c0_i32 = arith.constant 0 : i32
    %c0_i32_0 = arith.constant 0 : i32
    return %arg0, %c0_i32 : i32, i32
  }
  func.func @transform_1(%arg0: i32) -> (i32, i32) {
    %c0_i32 = arith.constant 0 : i32
    %c0_i32_0 = arith.constant 0 : i32
    %c0_i32_1 = arith.constant 0 : i32
    return %c0_i32, %c0_i32_0 : i32, i32
  }
  func.func @transform_2(%arg0: i32) -> (i32, i32) {
    %c0_i32 = arith.constant 0 : i32
    %c0_i32_0 = arith.constant 0 : i32
    return %arg0, %c0_i32 : i32, i32
  }
}

module attributes {stable_mosaic.version = 14 : i64} {
  func.func @_scale_body(%arg0: i32, %arg1: memref<1000x128xf32, #tpu.memory_space<vmem>>, %arg2: memref<2x1000x128xf32, #tpu.memory_space<vmem>>, %arg3: memref<1000x128xf32, #tpu.memory_space<vmem>>) attributes {dimension_semantics = [#tpu.dimension_semantics<arbitrary>], iteration_bounds = array<i64: 10>, scalar_prefetch = 0 : i64, scratch_operands = 0 : i64, tpu.core_type = #tpu.core_type<tc>, window_params = [{transform_indices = @transform_0, window_bounds = array<i64: 1000, 128>}, {transform_indices = @transform_1, window_bounds = array<i64: 2, 1000, 128>}, {transform_indices = @transform_2, window_bounds = array<i64: 1000, 128>}]} {
    %get3A = arith.constant 0 : index
    %get3A_0 = arith.constant 0 : index
    %get3A_1 = arith.constant 0 : index
    %get3A_2 = vector.load %arg2[%get3A, %get3A_0, %get3A_1] : memref<2x1000x128xf32, #tpu.memory_space<vmem>>, vector<1x1000x1xf32>
    %get3A_3 = vector.shape_cast %get3A_2 : vector<1x1000x1xf32> to vector<1000xf32>
    %add3A = arith.constant 1.000000e+00 : f32
    %add3A_4 = vector.broadcast %add3A : f32 to vector<1000xf32>
    %add3A_5 = arith.addf %add3A_4, %get3A_3 : vector<1000xf32>
    %get3A_6 = arith.constant 1 : index
    %get3A_7 = arith.constant 0 : index
    %get3A_8 = arith.constant 0 : index
    %get3A_9 = vector.load %arg2[%get3A_6, %get3A_7, %get3A_8] : memref<2x1000x128xf32, #tpu.memory_space<vmem>>, vector<1x1000x1xf32>
    %get3A_10 = vector.shape_cast %get3A_9 : vector<1x1000x1xf32> to vector<1000xf32>
    %add3A_11 = arith.addf %add3A_5, %get3A_10 : vector<1000xf32>
    %rsqrt3A = math.rsqrt %add3A_11 : vector<1000xf32>
    %get3A_12 = arith.constant 0 : index
    %get3A_13 = arith.constant 0 : index
    %get3A_14 = vector.load %arg1[%get3A_12, %get3A_13] : memref<1000x128xf32, #tpu.memory_space<vmem>>, vector<1000x128xf32>
    %broadcast_in_dim3A = vector.shape_cast %rsqrt3A : vector<1000xf32> to vector<1000x1xf32>
    %mul3A = vector.broadcast %broadcast_in_dim3A : vector<1000x1xf32> to vector<1000x128xf32>
    %mul3A_15 = arith.mulf %get3A_14, %mul3A : vector<1000x128xf32>
    %swap3A = arith.constant 0 : index
    %swap3A_16 = arith.constant 0 : index
    %swap3A_17 = vector.load %arg3[%swap3A, %swap3A_16] : memref<1000x128xf32, #tpu.memory_space<vmem>>, vector<1000x128xf32>
    tpu.vector_store %arg3[%swap3A, %swap3A_16], %mul3A_15 {strides = array<i32>} : memref<1000x128xf32, #tpu.memory_space<vmem>>, vector<1000x128xf32>,
    return
  }
  func.func @transform_0(%arg0: i32) -> (i32, i32) {
    %c0_i32 = arith.constant 0 : i32
    %c0_i32_0 = arith.constant 0 : i32
    return %arg0, %c0_i32 : i32, i32
  }
  func.func @transform_1(%arg0: i32) -> (i32, i32, i32) {
    %c0_i32 = arith.constant 0 : i32
    %c0_i32_0 = arith.constant 0 : i32
    %c0_i32_1 = arith.constant 0 : i32
    return %c0_i32, %arg0, %c0_i32_0 : i32, i32, i32
  }
  func.func @transform_2(%arg0: i32) -> (i32, i32) {
    %c0_i32 = arith.constant 0 : i32
    %c0_i32_0 = arith.constant 0 : i32
    return %arg0, %c0_i32 : i32, i32
  }
}

module attributes {stable_mosaic.version = 14 : i64} {
  func.func @_b2_body(%arg0: i32, %arg1: memref<2x1000x128xf32, #tpu.memory_space<vmem>>, %arg2: memref<1000x128xf32, #tpu.memory_space<vmem>>, %arg3: memref<1x128xf32, #tpu.memory_space<vmem>>, %arg4: memref<128x128xf32, #tpu.memory_space<vmem>>, %arg5: memref<2x1000x128xf32, #tpu.memory_space<vmem>>, %arg6: memref<1000x128xf32, #tpu.memory_space<vmem>>) attributes {dimension_semantics = [#tpu.dimension_semantics<arbitrary>], iteration_bounds = array<i64: 10>, scalar_prefetch = 0 : i64, scratch_operands = 0 : i64, tpu.core_type = #tpu.core_type<tc>, window_params = [{transform_indices = @transform_0, window_bounds = array<i64: 2, 1000, 128>}, {transform_indices = @transform_1, window_bounds = array<i64: 1000, 128>}, {pipeline_mode = #tpu.pipeline_mode<synchronous>, transform_indices = @transform_2, window_bounds = array<i64: 1, 128>}, {pipeline_mode = #tpu.pipeline_mode<synchronous>, transform_indices = @transform_3, window_bounds = array<i64: 128, 128>}, {transform_indices = @transform_4, window_bounds = array<i64: 2, 1000, 128>}, {transform_indices = @transform_5, window_bounds = array<i64: 1000, 128>}]} {
    %get3A = arith.constant 0 : index
    %get3A_0 = arith.constant 0 : index
    %get3A_1 = arith.constant 0 : index
    %get3A_2 = vector.load %arg5[%get3A, %get3A_0, %get3A_1] : memref<2x1000x128xf32, #tpu.memory_space<vmem>>, vector<1x1000x1xf32>
    %get3A_3 = vector.shape_cast %get3A_2 : vector<1x1000x1xf32> to vector<1000xf32>
    %add3A = arith.constant 1.000000e+00 : f32
    %add3A_4 = vector.broadcast %add3A : f32 to vector<1000xf32>
    %add3A_5 = arith.addf %add3A_4, %get3A_3 : vector<1000xf32>
    %get3A_6 = arith.constant 1 : index
    %get3A_7 = arith.constant 0 : index
    %get3A_8 = arith.constant 0 : index
    %get3A_9 = vector.load %arg5[%get3A_6, %get3A_7, %get3A_8] : memref<2x1000x128xf32, #tpu.memory_space<vmem>>, vector<1x1000x1xf32>
    %get3A_10 = vector.shape_cast %get3A_9 : vector<1x1000x1xf32> to vector<1000xf32>
    %add3A_11 = arith.addf %add3A_5, %get3A_10 : vector<1000xf32>
    %rsqrt3A = math.rsqrt %add3A_11 : vector<1000xf32>
    %broadcast_in_dim3A = vector.shape_cast %rsqrt3A : vector<1000xf32> to vector<1000x1xf32>
    %get3A_12 = arith.constant 0 : index
    %get3A_13 = arith.constant 0 : index
    %get3A_14 = arith.constant 0 : index
    %get3A_15 = vector.load %arg1[%get3A_12, %get3A_13, %get3A_14] : memref<2x1000x128xf32, #tpu.memory_space<vmem>>, vector<1x1000x128xf32>
    %get3A_16 = vector.shape_cast %get3A_15 : vector<1x1000x128xf32> to vector<1000x128xf32>
    %get3A_17 = arith.constant 1 : index
    %get3A_18 = arith.constant 0 : index
    %get3A_19 = arith.constant 0 : index
    %get3A_20 = vector.load %arg1[%get3A_17, %get3A_18, %get3A_19] : memref<2x1000x128xf32, #tpu.memory_space<vmem>>, vector<1x1000x128xf32>
    %get3A_21 = vector.shape_cast %get3A_20 : vector<1x1000x128xf32> to vector<1000x128xf32>
    %add3A_22 = arith.addf %get3A_16, %get3A_21 : vector<1000x128xf32>
    %get3A_23 = arith.constant 0 : index
    %get3A_24 = arith.constant 0 : index
    %get3A_25 = vector.load %arg2[%get3A_23, %get3A_24] : memref<1000x128xf32, #tpu.memory_space<vmem>>, vector<1000x128xf32>
    %add3A_26 = arith.addf %add3A_22, %get3A_25 : vector<1000x128xf32>
    %mul3A = vector.broadcast %broadcast_in_dim3A : vector<1000x1xf32> to vector<1000x128xf32>
    %mul3A_27 = arith.mulf %mul3A, %add3A_26 : vector<1000x128xf32>
    %get3A_28 = arith.constant 0 : index
    %get3A_29 = arith.constant 0 : index
    %get3A_30 = vector.load %arg3[%get3A_28, %get3A_29] : memref<1x128xf32, #tpu.memory_space<vmem>>, vector<1x128xf32>
    %add3A_31 = vector.broadcast %get3A_30 : vector<1x128xf32> to vector<1000x128xf32>
    %add3A_32 = arith.addf %mul3A_27, %add3A_31 : vector<1000x128xf32>
    %max3A = arith.constant 0.000000e+00 : f32
    %max3A_33 = vector.broadcast %max3A : f32 to vector<1000x128xf32>
    %max3A_34 = arith.maximumf %add3A_32, %max3A_33 : vector<1000x128xf32>
    %get3A_35 = arith.constant 0 : index
    %get3A_36 = arith.constant 0 : index
    %get3A_37 = vector.load %arg4[%get3A_35, %get3A_36] : memref<128x128xf32, #tpu.memory_space<vmem>>, vector<128x128xf32>
    %dot_general3A = arith.constant dense<0.000000e+00> : vector<1000x128xf32>
    %dot_general3A_38 = tpu.matmul %max3A_34, %get3A_37, %dot_general3A {dimension_numbers = #tpu.dot_dimension_numbers<[1], [0], [0], [1], [0, 0, 1, 1], [], []>, precision = #tpu.contract_precision<fp32>, transpose_lhs_hint = false} : vector<1000x128xf32>, vector<128x128xf32>, vector<1000x128xf32> -> vector<1000x128xf32>
    %broadcast_in_dim3A_39 = vector.shape_cast %rsqrt3A : vector<1000xf32> to vector<1000x1xf32>
    %mul3A_40 = vector.broadcast %broadcast_in_dim3A_39 : vector<1000x1xf32> to vector<1000x128xf32>
    %mul3A_41 = arith.mulf %dot_general3A_38, %mul3A_40 : vector<1000x128xf32>
    %swap3A = arith.constant 0 : index
    %swap3A_42 = arith.constant 0 : index
    %swap3A_43 = vector.load %arg6[%swap3A, %swap3A_42] : memref<1000x128xf32, #tpu.memory_space<vmem>>, vector<1000x128xf32>
    tpu.vector_store %arg6[%swap3A, %swap3A_42], %mul3A_41 {strides = array<i32>} : memref<1000x128xf32, #tpu.memory_space<vmem>>, vector<1000x128xf32>,
    return
  }
  func.func @transform_0(%arg0: i32) -> (i32, i32, i32) {
    %c0_i32 = arith.constant 0 : i32
    %c0_i32_0 = arith.constant 0 : i32
    %c0_i32_1 = arith.constant 0 : i32
    return %c0_i32, %arg0, %c0_i32_0 : i32, i32, i32
  }
  func.func @transform_1(%arg0: i32) -> (i32, i32) {
    %c0_i32 = arith.constant 0 : i32
    %c0_i32_0 = arith.constant 0 : i32
    return %arg0, %c0_i32 : i32, i32
  }
  func.func @transform_2(%arg0: i32) -> (i32, i32) {
    %c0_i32 = arith.constant 0 : i32
    %c0_i32_0 = arith.constant 0 : i32
    %c0_i32_1 = arith.constant 0 : i32
    return %c0_i32, %c0_i32_0 : i32, i32
  }
  func.func @transform_3(%arg0: i32) -> (i32, i32) {
    %c0_i32 = arith.constant 0 : i32
    %c0_i32_0 = arith.constant 0 : i32
    %c0_i32_1 = arith.constant 0 : i32
    return %c0_i32, %c0_i32_0 : i32, i32
  }
  func.func @transform_4(%arg0: i32) -> (i32, i32, i32) {
    %c0_i32 = arith.constant 0 : i32
    %c0_i32_0 = arith.constant 0 : i32
    %c0_i32_1 = arith.constant 0 : i32
    return %c0_i32, %arg0, %c0_i32_0 : i32, i32, i32
  }
  func.func @transform_5(%arg0: i32) -> (i32, i32) {
    %c0_i32 = arith.constant 0 : i32
    %c0_i32_0 = arith.constant 0 : i32
    return %arg0, %c0_i32 : i32, i32
  }
}

module attributes {stable_mosaic.version = 14 : i64} {
  func.func @_b3_body(%arg0: i32, %arg1: memref<2x1000x128xf32, #tpu.memory_space<vmem>>, %arg2: memref<1000x128xf32, #tpu.memory_space<vmem>>, %arg3: memref<1x128xf32, #tpu.memory_space<vmem>>, %arg4: memref<2x1000x128xf32, #tpu.memory_space<vmem>>, %arg5: memref<1x1x1000xi32, #tpu.memory_space<vmem>>, %arg6: memref<16x128xf32, #tpu.memory_space<vmem>>, %arg7: memref<16x1xf32, #tpu.memory_space<vmem>>) attributes {dimension_semantics = [#tpu.dimension_semantics<arbitrary>], iteration_bounds = array<i64: 10>, scalar_prefetch = 0 : i64, scratch_operands = 0 : i64, tpu.core_type = #tpu.core_type<tc>, window_params = [{transform_indices = @transform_0, window_bounds = array<i64: 2, 1000, 128>}, {transform_indices = @transform_1, window_bounds = array<i64: 1000, 128>}, {pipeline_mode = #tpu.pipeline_mode<synchronous>, transform_indices = @transform_2, window_bounds = array<i64: 1, 128>}, {transform_indices = @transform_3, window_bounds = array<i64: 2, 1000, 128>}, {transform_indices = @transform_4, window_bounds = array<i64: 1, 1, 1000>}, {pipeline_mode = #tpu.pipeline_mode<synchronous>, transform_indices = @transform_5, window_bounds = array<i64: 16, 128>}, {pipeline_mode = #tpu.pipeline_mode<synchronous>, transform_indices = @transform_6, window_bounds = array<i64: 16, 1>}]} {
    %get3A = arith.constant 0 : index
    %get3A_0 = arith.constant 0 : index
    %get3A_1 = arith.constant 0 : index
    %get3A_2 = vector.load %arg4[%get3A, %get3A_0, %get3A_1] : memref<2x1000x128xf32, #tpu.memory_space<vmem>>, vector<1x1000x1xf32>
    %get3A_3 = vector.shape_cast %get3A_2 : vector<1x1000x1xf32> to vector<1000xf32>
    %add3A = arith.constant 1.000000e+00 : f32
    %add3A_4 = vector.broadcast %add3A : f32 to vector<1000xf32>
    %add3A_5 = arith.addf %add3A_4, %get3A_3 : vector<1000xf32>
    %get3A_6 = arith.constant 1 : index
    %get3A_7 = arith.constant 0 : index
    %get3A_8 = arith.constant 0 : index
    %get3A_9 = vector.load %arg4[%get3A_6, %get3A_7, %get3A_8] : memref<2x1000x128xf32, #tpu.memory_space<vmem>>, vector<1x1000x1xf32>
    %get3A_10 = vector.shape_cast %get3A_9 : vector<1x1000x1xf32> to vector<1000xf32>
    %add3A_11 = arith.addf %add3A_5, %get3A_10 : vector<1000xf32>
    %rsqrt3A = math.rsqrt %add3A_11 : vector<1000xf32>
    %broadcast_in_dim3A = vector.shape_cast %rsqrt3A : vector<1000xf32> to vector<1000x1xf32>
    %get3A_12 = arith.constant 0 : index
    %get3A_13 = arith.constant 0 : index
    %get3A_14 = arith.constant 0 : index
    %get3A_15 = vector.load %arg1[%get3A_12, %get3A_13, %get3A_14] : memref<2x1000x128xf32, #tpu.memory_space<vmem>>, vector<1x1000x128xf32>
    %get3A_16 = vector.shape_cast %get3A_15 : vector<1x1000x128xf32> to vector<1000x128xf32>
    %get3A_17 = arith.constant 1 : index
    %get3A_18 = arith.constant 0 : index
    %get3A_19 = arith.constant 0 : index
    %get3A_20 = vector.load %arg1[%get3A_17, %get3A_18, %get3A_19] : memref<2x1000x128xf32, #tpu.memory_space<vmem>>, vector<1x1000x128xf32>
    %get3A_21 = vector.shape_cast %get3A_20 : vector<1x1000x128xf32> to vector<1000x128xf32>
    %add3A_22 = arith.addf %get3A_16, %get3A_21 : vector<1000x128xf32>
    %get3A_23 = arith.constant 0 : index
    %get3A_24 = arith.constant 0 : index
    %get3A_25 = vector.load %arg2[%get3A_23, %get3A_24] : memref<1000x128xf32, #tpu.memory_space<vmem>>, vector<1000x128xf32>
    %add3A_26 = arith.addf %add3A_22, %get3A_25 : vector<1000x128xf32>
    %mul3A = vector.broadcast %broadcast_in_dim3A : vector<1000x1xf32> to vector<1000x128xf32>
    %mul3A_27 = arith.mulf %mul3A, %add3A_26 : vector<1000x128xf32>
    %get3A_28 = arith.constant 0 : index
    %get3A_29 = arith.constant 0 : index
    %get3A_30 = vector.load %arg3[%get3A_28, %get3A_29] : memref<1x128xf32, #tpu.memory_space<vmem>>, vector<1x128xf32>
    %add3A_31 = vector.broadcast %get3A_30 : vector<1x128xf32> to vector<1000x128xf32>
    %add3A_32 = arith.addf %mul3A_27, %add3A_31 : vector<1000x128xf32>
    %max3A = arith.constant 0.000000e+00 : f32
    %max3A_33 = vector.broadcast %max3A : f32 to vector<1000x128xf32>
    %max3A_34 = arith.maximumf %add3A_32, %max3A_33 : vector<1000x128xf32>
    %get3A_35 = arith.constant 0 : index
    %get3A_36 = arith.constant 0 : index
    %get3A_37 = arith.constant 0 : index
    %get3A_38 = vector.load %arg5[%get3A_35, %get3A_36, %get3A_37] : memref<1x1x1000xi32, #tpu.memory_space<vmem>>, vector<1x1x1000xi32>
    %get3A_39 = vector.shape_cast %get3A_38 : vector<1x1x1000xi32> to vector<1000xi32>
    %iota3A = tpu.iota {dimensions = array<i32: 0>} : vector<16x1000xi32>
    %broadcast_in_dim3A_40 = vector.shape_cast %get3A_39 : vector<1000xi32> to vector<1x1000xi32>
    %eq3A = vector.broadcast %broadcast_in_dim3A_40 : vector<1x1000xi32> to vector<16x1000xi32>
    %eq3A_41 = arith.cmpi eq, %eq3A, %iota3A : vector<16x1000xi32>
    %convert_element_type3A = arith.extui %eq3A_41 : vector<16x1000xi1> to vector<16x1000xi32>
    %convert_element_type3A_42 = arith.sitofp %convert_element_type3A : vector<16x1000xi32> to vector<16x1000xf32>
    %dot_general3A = arith.constant dense<0.000000e+00> : vector<16x128xf32>
    %dot_general3A_43 = tpu.matmul %convert_element_type3A_42, %max3A_34, %dot_general3A {dimension_numbers = #tpu.dot_dimension_numbers<[1], [0], [0], [1], [0, 0, 1, 1], [], []>, precision = #tpu.contract_precision<fp32>, transpose_lhs_hint = false} : vector<16x1000xf32>, vector<1000x128xf32>, vector<16x128xf32> -> vector<16x128xf32>
    %reduce_sum3A = arith.constant dense<0.000000e+00> : vector<16xf32>
    %reduce_sum3A_44 = vector.multi_reduction <add>, %convert_element_type3A_42, %reduce_sum3A [1] : vector<16x1000xf32> to vector<16xf32>
    %broadcast_in_dim3A_45 = vector.shape_cast %reduce_sum3A_44 : vector<16xf32> to vector<16x1xf32>
    %eq3A_46 = arith.constant 0 : i32
    %eq3A_47 = arith.cmpi eq, %arg0, %eq3A_46 : i32
    %convert_element_type3A_48 = arith.extui %eq3A_47 : i1 to i32
    %cond3A = arith.constant 0 : i32
    %cond3A_49 = arith.cmpi ne, %convert_element_type3A_48, %cond3A : i32
    scf.if %cond3A_49 {
      %broadcast_in_dim3A_63 = arith.constant 0.000000e+00 : f32
      %broadcast_in_dim3A_64 = vector.broadcast %broadcast_in_dim3A_63 : f32 to vector<16x128xf32>
      %swap3A_65 = arith.constant 0 : index
      %swap3A_66 = arith.constant 0 : index
      %swap3A_67 = vector.load %arg6[%swap3A_65, %swap3A_66] : memref<16x128xf32, #tpu.memory_space<vmem>>, vector<16x128xf32>
      tpu.vector_store %arg6[%swap3A_65, %swap3A_66], %broadcast_in_dim3A_64 {strides = array<i32>} : memref<16x128xf32, #tpu.memory_space<vmem>>, vector<16x128xf32>,
      %broadcast_in_dim3A_68 = arith.constant 0.000000e+00 : f32
      %broadcast_in_dim3A_69 = vector.broadcast %broadcast_in_dim3A_68 : f32 to vector<16x1xf32>
      %swap3A_70 = arith.constant 0 : index
      %swap3A_71 = arith.constant 0 : index
      %swap3A_72 = vector.load %arg7[%swap3A_70, %swap3A_71] : memref<16x1xf32, #tpu.memory_space<vmem>>, vector<16x1xf32>
      tpu.vector_store %arg7[%swap3A_70, %swap3A_71], %broadcast_in_dim3A_69 {strides = array<i32>} : memref<16x1xf32, #tpu.memory_space<vmem>>, vector<16x1xf32>,
    } else {
    }
    %get3A_50 = arith.constant 0 : index
    %get3A_51 = arith.constant 0 : index
    %get3A_52 = vector.load %arg6[%get3A_50, %get3A_51] : memref<16x128xf32, #tpu.memory_space<vmem>>, vector<16x128xf32>
    %add3A_53 = arith.addf %get3A_52, %dot_general3A_43 : vector<16x128xf32>
    %swap3A = arith.constant 0 : index
    %swap3A_54 = arith.constant 0 : index
    %swap3A_55 = vector.load %arg6[%swap3A, %swap3A_54] : memref<16x128xf32, #tpu.memory_space<vmem>>, vector<16x128xf32>
    tpu.vector_store %arg6[%swap3A, %swap3A_54], %add3A_53 {strides = array<i32>} : memref<16x128xf32, #tpu.memory_space<vmem>>, vector<16x128xf32>,
    %get3A_56 = arith.constant 0 : index
    %get3A_57 = arith.constant 0 : index
    %get3A_58 = vector.load %arg7[%get3A_56, %get3A_57] : memref<16x1xf32, #tpu.memory_space<vmem>>, vector<16x1xf32>
    %add3A_59 = arith.addf %get3A_58, %broadcast_in_dim3A_45 : vector<16x1xf32>
    %swap3A_60 = arith.constant 0 : index
    %swap3A_61 = arith.constant 0 : index
    %swap3A_62 = vector.load %arg7[%swap3A_60, %swap3A_61] : memref<16x1xf32, #tpu.memory_space<vmem>>, vector<16x1xf32>
    tpu.vector_store %arg7[%swap3A_60, %swap3A_61], %add3A_59 {strides = array<i32>} : memref<16x1xf32, #tpu.memory_space<vmem>>, vector<16x1xf32>,
    return
  }
  func.func @transform_0(%arg0: i32) -> (i32, i32, i32) {
    %c0_i32 = arith.constant 0 : i32
    %c0_i32_0 = arith.constant 0 : i32
    %c0_i32_1 = arith.constant 0 : i32
    return %c0_i32, %arg0, %c0_i32_0 : i32, i32, i32
  }
  func.func @transform_1(%arg0: i32) -> (i32, i32) {
    %c0_i32 = arith.constant 0 : i32
    %c0_i32_0 = arith.constant 0 : i32
    return %arg0, %c0_i32 : i32, i32
  }
  func.func @transform_2(%arg0: i32) -> (i32, i32) {
    %c0_i32 = arith.constant 0 : i32
    %c0_i32_0 = arith.constant 0 : i32
    %c0_i32_1 = arith.constant 0 : i32
    return %c0_i32, %c0_i32_0 : i32, i32
  }
  func.func @transform_3(%arg0: i32) -> (i32, i32, i32) {
    %c0_i32 = arith.constant 0 : i32
    %c0_i32_0 = arith.constant 0 : i32
    %c0_i32_1 = arith.constant 0 : i32
    return %c0_i32, %arg0, %c0_i32_0 : i32, i32, i32
  }
  func.func @transform_4(%arg0: i32) -> (i32, i32, i32) {
    %c0_i32 = arith.constant 0 : i32
    %c0_i32_0 = arith.constant 0 : i32
    %c0_i32_1 = arith.constant 0 : i32
    return %arg0, %c0_i32, %c0_i32_0 : i32, i32, i32
  }
  func.func @transform_5(%arg0: i32) -> (i32, i32) {
    %c0_i32 = arith.constant 0 : i32
    %c0_i32_0 = arith.constant 0 : i32
    %c0_i32_1 = arith.constant 0 : i32
    return %c0_i32, %c0_i32_0 : i32, i32
  }
  func.func @transform_6(%arg0: i32) -> (i32, i32) {
    %c0_i32 = arith.constant 0 : i32
    %c0_i32_0 = arith.constant 0 : i32
    %c0_i32_1 = arith.constant 0 : i32
    return %c0_i32, %c0_i32_0 : i32, i32
  }
}

module attributes {stable_mosaic.version = 14 : i64} {
  func.func @_b4_body(%arg0: memref<16x128xf32, #tpu.memory_space<vmem>>, %arg1: memref<16x1xf32, #tpu.memory_space<vmem>>, %arg2: memref<128x64xf32, #tpu.memory_space<vmem>>, %arg3: memref<1x64xf32, #tpu.memory_space<vmem>>, %arg4: memref<64x5xf32, #tpu.memory_space<vmem>>, %arg5: memref<1x5xf32, #tpu.memory_space<vmem>>, %arg6: memref<16x5xf32, #tpu.memory_space<vmem>>) attributes {dimension_semantics = [], scalar_prefetch = 0 : i64, scratch_operands = 0 : i64, tpu.core_type = #tpu.core_type<tc>} {
    %get3A = arith.constant 0 : index
    %get3A_0 = arith.constant 0 : index
    %get3A_1 = vector.load %arg0[%get3A, %get3A_0] : memref<16x128xf32, #tpu.memory_space<vmem>>, vector<16x128xf32>
    %get3A_2 = arith.constant 0 : index
    %get3A_3 = arith.constant 0 : index
    %get3A_4 = vector.load %arg1[%get3A_2, %get3A_3] : memref<16x1xf32, #tpu.memory_space<vmem>>, vector<16x1xf32>
    %max3A = arith.constant 1.000000e+00 : f32
    %max3A_5 = vector.broadcast %max3A : f32 to vector<16x1xf32>
    %max3A_6 = arith.maximumf %get3A_4, %max3A_5 : vector<16x1xf32>
    %div3A = vector.broadcast %max3A_6 : vector<16x1xf32> to vector<16x128xf32>
    %div3A_7 = arith.divf %get3A_1, %div3A : vector<16x128xf32>
    %get3A_8 = arith.constant 0 : index
    %get3A_9 = arith.constant 0 : index
    %get3A_10 = vector.load %arg2[%get3A_8, %get3A_9] : memref<128x64xf32, #tpu.memory_space<vmem>>, vector<128x64xf32>
    %dot_general3A = arith.constant dense<0.000000e+00> : vector<16x64xf32>
    %dot_general3A_11 = tpu.matmul %div3A_7, %get3A_10, %dot_general3A {dimension_numbers = #tpu.dot_dimension_numbers<[1], [0], [0], [1], [0, 0, 1, 1], [], []>, precision = #tpu.contract_precision<fp32>, transpose_lhs_hint = false} : vector<16x128xf32>, vector<128x64xf32>, vector<16x64xf32> -> vector<16x64xf32>
    %get3A_12 = arith.constant 0 : index
    %get3A_13 = arith.constant 0 : index
    %get3A_14 = vector.load %arg3[%get3A_12, %get3A_13] : memref<1x64xf32, #tpu.memory_space<vmem>>, vector<1x64xf32>
    %add3A = vector.broadcast %get3A_14 : vector<1x64xf32> to vector<16x64xf32>
    %add3A_15 = arith.addf %dot_general3A_11, %add3A : vector<16x64xf32>
    %max3A_16 = arith.constant 0.000000e+00 : f32
    %max3A_17 = vector.broadcast %max3A_16 : f32 to vector<16x64xf32>
    %max3A_18 = arith.maximumf %add3A_15, %max3A_17 : vector<16x64xf32>
    %get3A_19 = arith.constant 0 : index
    %get3A_20 = arith.constant 0 : index
    %get3A_21 = vector.load %arg4[%get3A_19, %get3A_20] : memref<64x5xf32, #tpu.memory_space<vmem>>, vector<64x5xf32>
    %dot_general3A_22 = arith.constant dense<0.000000e+00> : vector<16x5xf32>
    %dot_general3A_23 = tpu.matmul %max3A_18, %get3A_21, %dot_general3A_22 {dimension_numbers = #tpu.dot_dimension_numbers<[1], [0], [0], [1], [0, 0, 1, 1], [], []>, precision = #tpu.contract_precision<fp32>, transpose_lhs_hint = false} : vector<16x64xf32>, vector<64x5xf32>, vector<16x5xf32> -> vector<16x5xf32>
    %get3A_24 = arith.constant 0 : index
    %get3A_25 = arith.constant 0 : index
    %get3A_26 = vector.load %arg5[%get3A_24, %get3A_25] : memref<1x5xf32, #tpu.memory_space<vmem>>, vector<1x5xf32>
    %add3A_27 = vector.broadcast %get3A_26 : vector<1x5xf32> to vector<16x5xf32>
    %add3A_28 = arith.addf %dot_general3A_23, %add3A_27 : vector<16x5xf32>
    %neg3A = arith.constant 0.000000e+00 : f32
    %neg3A_29 = vector.broadcast %neg3A : f32 to vector<16x5xf32>
    %neg3A_30 = arith.subf %neg3A_29, %add3A_28 : vector<16x5xf32>
    %exp3A = math.exp %neg3A_30 : vector<16x5xf32>
    %add3A_31 = arith.constant 1.000000e+00 : f32
    %add3A_32 = vector.broadcast %add3A_31 : f32 to vector<16x5xf32>
    %add3A_33 = arith.addf %add3A_32, %exp3A : vector<16x5xf32>
    %div3A_34 = arith.constant 1.000000e+00 : f32
    %div3A_35 = vector.broadcast %div3A_34 : f32 to vector<16x5xf32>
    %div3A_36 = arith.divf %div3A_35, %add3A_33 : vector<16x5xf32>
    %swap3A = arith.constant 0 : index
    %swap3A_37 = arith.constant 0 : index
    %swap3A_38 = vector.load %arg6[%swap3A, %swap3A_37] : memref<16x5xf32, #tpu.memory_space<vmem>>, vector<16x5xf32>
    tpu.vector_store %arg6[%swap3A, %swap3A_37], %div3A_36 {strides = array<i32>} : memref<16x5xf32, #tpu.memory_space<vmem>>, vector<16x5xf32>,
    return
  }
}

</mosaic_0001>

<sc_bundles>
// kernel: kernel.10.cloned.1.call-start
scs
__scs_entry_jumppad:
0x0: {  	(pc) =	sbr.rel $0x88, $3  }
0x1: {  	(tag) =	ssettag $0x0;
	lr =	simm.s32 $0x1  }
0x2: {  	[smem:$0x3F96] =	sst lr;
	_ =	strace $0xD0000000  }
0x3: {  	_ = 	snop  }
0x4: {  	_ = 	snop  }
0x5: {  	_ = 	snop  }
0x6: {  	_ = 	snop  }
0x7: {  	_ = 	snop  }
__scs_overlays_trampoline_lowered:
0x8: {  	[smem:$0x3FA5] =	sst s0  }
0x9: {  	[smem:$0x3FA6] =	sst s1  }
0xa: {  	[smem:$0x3FA7] =	sst s2  }
0xb: {  	[smem:$0x3FA8] =	sst s3  }
0xc: {  	[smem:$0x3FA9] =	sst s4  }
0xd: {  	[smem:$0x3FAA] =	sst s5  }
0xe: {  	[smem:$0x3FAB] =	sst s6  }
0xf: {  	[smem:$0x3FAC] =	sst s7  }
0x10: {  	[smem:$0x3FAD] =	sst s8  }
0x11: {  	[smem:$0x3FAE] =	sst s9;
	s0 =	simm.s32 @!p0 $0x0  }
0x12: {  	s1 =	sld [smem:$0x3F94];
	s0 =	simm.s32 @p0 $0x1  }
0x13: {  	[smem:$0x3FAF] =	sst s0;
	s0 =	simm.s32 @!p1 $0x0  }
0x14: {  	s2 =	sld [smem:$0x3F93];
	s0 =	simm.s32 @p1 $0x1  }
0x15: {  	[smem:$0x3FB0] =	sst s0;
	s0 =	simm.s32 @!p2 $0x0  }
0x16: {  	s3 =	sld [smem:$0x3FDB];
	s0 =	simm.s32 @p2 $0x1  }
0x17: {  	s4 =	simm.s32 $0x1BF5;
	[smem:$0x3FB2] =	sst s0  }
0x18: {  	s0 =	sld [smem:$0x3F95];
	_ =	swait.ge [sflag:s4], $0x0  }
0x19: {  	s7 =	sld [smem:$0x3F96]  }
0x1a: {  	s8 =	sadd.s32 $0xFFFFE003, lr  }
0x1b: {  	s9 =	sadd.s32 $0xFFFFFEF7, lr;
	s5 =	simm.s32 $0xFFFFFFFF;
	p2 =	slt.u32 s8, $0xFFFFF086  }
0x1c: {  	p1 =	slt.u32 s9, $0xF7A;
	s5 =	simm.s32 @!p2 $0x0  }
0x1d: {  	s5 =	simm.s32 @p1 $0x1;
	p0 =	seq.s32 s7, s2  }
0x1e: {  	s7 =	smul.u32 @!p0 $0xF7A, s2;
	p2 =	seq.s32 @!p0 s5, $0x0  }
0x1f: {  	s9 =	smul.u32 $0xF7A, s1;
	s8 =	simm.s32 @!p0 $0x1BF5;
	p2 =	por !p2, p0  }
0x20: {  	[sflag:s8] =	ssyncset.s32 @!p0 $0xFFFFF086;
	s6 =	sadd.s32 @!p0 s3, s7;
	s7 =	simm.s32 @!p0 $0x108  }
0x21: {  	s3 =	sadd.s32 s3, s9;
	s6 =	sadd.s32 @!p0 $0x88, s6;
	s7 =	simm.s32 @p2 $0x1082  }
0x22: {  	[simem:s7], [sflag:s8] =	dma.local @!p0 [hbm:s6], $0xF7A  }
0x23: {  	s9 =	sor.u32 $0xD0000000, s2;
	s6 =	simm.s32 $0x108;
	_ =	swait.ge @!p0 [sflag:s8], $0x0  }
0x24: {  	s3 =	sadd.s32 $0x88, s3;
	s6 =	simm.s32 @!p1 $0x1082;
	[sflag:s4] =	ssyncset.s32 $0xFFFFF086  }
0x25: {  	[simem:s6], [sflag:s4] =	dma.local [hbm:s3], $0xF7A  }
0x26: {  	[smem:$0x3F96] =	sst s1;
	(tag) =	ssettag s2;
	_ =	strace s9  }
0x27: {  	s1 =	sld [smem:$0x3FA6]  }
0x28: {  	s2 =	sld [smem:$0x3FA7]  }
0x29: {  	s4 =	sld [smem:$0x3FA9]  }
0x2a: {  	p0 =	seq.s32 s5, $0x0;
	s5 =	sld [smem:$0x3FAA]  }
0x2b: {  	s6 =	sld [smem:$0x3FAB]  }
0x2c: {  	s7 =	sld [smem:$0x3FAC]  }
0x2d: {  	s3 =	simm.s32 $0x108;
	s8 =	sld [smem:$0x3FAD]  }
0x2e: {  	s3 =	simm.s32 @!p0 $0x1082;
	s9 =	sld [smem:$0x3FAE]  }
0x2f: {  	lr =	sadd.s32 s0, s3;
	s0 =	sld [smem:$0x3FA5]  }
0x30: {  	s3 =	sld [smem:$0x3FA8]  }
0x31: {  	[smem:$0x3FB1] =	sst s10  }
0x32: {  	s10 =	sld [smem:$0x3FAF];
	_ =	sdelay $0x3  }
0x33: {  	p0 =	seq.s32 s10, $0x1;
	s10 =	sld [smem:$0x3FB1];
	_ =	sdelay $0x3  }
0x34: {  	[smem:$0x3FB1] =	sst s10  }
0x35: {  	s10 =	sld [smem:$0x3FB0];
	_ =	sdelay $0x3  }
0x36: {  	p1 =	seq.s32 s10, $0x1;
	s10 =	sld [smem:$0x3FB1];
	_ =	sdelay $0x3  }
0x37: {  	[smem:$0x3FB1] =	sst s10  }
0x38: {  	s10 =	sld [smem:$0x3FB2]  }
0x39: {  	_ = 	snop;
	(pc) =	sbr.ind lr, $3  }
0x3a: {  	_ = 	snop  }
0x3b: {  	_ = 	snop  }
0x3c: {  	p2 =	seq.s32 s10, $0x1;
	s10 =	sld [smem:$0x3FB1]  }
0x3d: {  	_ =	shalt  }
0x3e: {  	_ =	shalt  }
0x3f: {  	_ =	shalt  }
0x40: {  	_ =	shalt  }
0x41: {  	_ =	shalt  }
0x42: {  	_ =	shalt  }
0x43: {  	_ =	shalt  }
0x44: {  	_ =	shalt  }
0x45: {  	_ =	shalt  }
0x46: {  	_ =	shalt  }
0x47: {  	_ =	shalt  }
0x48: {  	_ =	shalt  }
0x49: {  	_ =	shalt  }
0x4a: {  	_ =	shalt  }
0x4b: {  	_ =	shalt  }
0x4c: {  	_ =	shalt  }
0x4d: {  	_ =	shalt  }
0x4e: {  	_ =	shalt  }
0x4f: {  	_ =	shalt  }
0x50: {  	_ =	shalt  }
0x51: {  	_ =	shalt  }
0x52: {  	_ =	shalt  }
0x53: {  	_ =	shalt  }
0x54: {  	_ =	shalt  }
0x55: {  	_ =	shalt  }
0x56: {  	_ =	shalt  }
0x57: {  	_ =	shalt  }
0x58: {  	_ =	shalt  }
0x59: {  	_ =	shalt  }
0x5a: {  	_ =	shalt  }
0x5b: {  	_ =	shalt  }
0x5c: {  	_ =	shalt  }
0x5d: {  	_ =	shalt  }
0x5e: {  	_ =	shalt  }
0x5f: {  	_ =	shalt  }
0x60: {  	_ =	shalt  }
0x61: {  	_ =	shalt  }
0x62: {  	_ =	shalt  }
0x63: {  	_ =	shalt  }
0x64: {  	_ =	shalt  }
0x65: {  	_ =	shalt  }
0x66: {  	_ =	shalt  }
0x67: {  	_ =	shalt  }
0x68: {  	_ =	shalt  }
0x69: {  	_ =	shalt  }
0x6a: {  	_ =	shalt  }
0x6b: {  	_ =	shalt  }
0x6c: {  	_ =	shalt  }
0x6d: {  	_ =	shalt  }
0x6e: {  	_ =	shalt  }
0x6f: {  	_ =	shalt  }
0x70: {  	_ =	shalt  }
0x71: {  	_ =	shalt  }
0x72: {  	_ =	shalt  }
0x73: {  	_ =	shalt  }
0x74: {  	_ =	shalt  }
0x75: {  	_ =	shalt  }
0x76: {  	_ =	shalt  }
0x77: {  	_ =	shalt  }
0x78: {  	_ =	shalt  }
0x79: {  	_ =	shalt  }
0x7a: {  	_ =	shalt  }
0x7b: {  	_ =	shalt  }
0x7c: {  	_ =	shalt  }
0x7d: {  	_ =	shalt  }
0x7e: {  	_ =	shalt  }
0x7f: {  	_ =	shalt  }
0x80: {  	_ =	shalt  }
0x81: {  	_ =	shalt  }
0x82: {  	_ =	shalt  }
0x83: {  	_ =	shalt  }
0x84: {  	_ =	shalt  }
0x85: {  	_ =	shalt  }
0x86: {  	_ =	shalt  }
0x87: {  	_ =	shalt  }
.Lfunc_end0:
.L_simem_size_0:
called_computation_lowered:
.L_overlay_start_0:
0x88: {  	s2 =	sld [smem:$0x3FD9]  }
0x89: {  	s3 =	sld [smem:$0x3FFE];
	_ =	sdelay $0x1  }
0x8a: {  	s1 =	srdreg.scid  }
0x8b: {  	s0 =	sand.u32 $0x1, s1  }
0x8c: {  	s16 =	sshll.u32 s0, $0xA;
	s2 =	sadd.s32 s3, s2  }
0x8d: {  	s2 =	sadd.s32 s2, s16  }
0x8e: {  	[smem:$0x3FBD] =	sst s2  }
0x8f: {  	_ = 	snop  }
0x90: {  	(tm) =	ssettm $0x1  }
0x91: {  	s17 =	sld [smem:$0x3FFB];
	_ =	sdelay $0x3  }
0x92: {  	_ =	strace s17  }
0x93: {  	s2 =	sld [smem:$0x3FFC];
	_ =	sdelay $0x3  }
0x94: {  	_ =	strace s2  }
0x95: {  	s2 =	sld [smem:$0x3FFD];
	_ =	sdelay $0x3  }
0x96: {  	_ =	strace s2  }
0x97: {  	_ =	strace $0x8FFFFFFF  }
0x98: {  	s18 =	sld [smem:$0x3FDB];
	_ =	sdelay $0x1  }
0x99: {  	s19 =	simm.s32 $_scs_section_size  }
0x9a: {  	s4 =	simm.s32 $_size__tile_overlayer_lowered;
	s5 =	simm.s32 $_tile_overlayer_lowered  }
0x9b: {  	s22 =	simm.s32 $0x1BFF;
	s21 =	sshll.u32 s5, $0x1;
	s2 =	sadd.s32 s19, s18  }
0x9c: {  	s6 =	simm.s32 $0x0;
	s20 =	sshll.u32 s4, $0x1;
	s4 =	sadd.s32 s21, s2  }
0x9d: {  	[timem:s6], [sflag:s22] =	dma.local [hbm:s4], s20  }
0x9e: {  	_ =	swait.ge [sflag:s22], s20  }
0x9f: {  	s3 =	ssub.s32 $0x0, s20;
	[sflag:s22] =	ssyncset.done $0x0  }
0xa0: {  	[sflag:s22] =	ssyncadd.s32 s3;
	_ =	sdelay $0x1  }
0xa1: {  	s23 =	simm.s32 $0x1B8B  }
0xa2: {  	_ =	swait.ge [sflag:s23], $0x1  }
0xa3: {  	[sflag:s23] =	ssyncset.done $0x0  }
0xa4: {  	s25 =	simm.s32 $0x1B8E;
	s24 =	sld [smem:$0x3FFE];
	[sflag:s23] =	ssyncadd.s32 $0xFFFFFFFF  }
0xa5: {  	s26 =	simm.s32 $execute0_lowered;
	[smem:$0x3FD2] =	sst s25  }
0xa6: {  	s4 =	sshll.u32 s26, $0x1;
	_ =	strace $0x80000046;
	[dreg:$0x1] =	wrdreg $0xFFFFFFFF  }
0xa7: {  	s28 =	simm.s32 $_size_execute0_lowered;
	s2 =	sadd.s32 s2, s4;
	[dreg:$0x0] =	wrdreg $0x0  }
0xa8: {  	s4 =	sshll.u32 s28, $0x1;
	[dreg:$0x2] =	wrdreg s2  }
0xa9: {  	[dreg:$0x3] =	wrdreg s4  }
0xaa: {  	[dreg:$0x4] =	wrdreg $0xC0  }
0xab: {  	_ =	task [dreg:s6], $0x5FFFF  }
0xac: {  	[dreg:$0x1] =	wrdreg $0xFFFFFFFF  }
0xad: {  	[dreg:$0x0] =	wrdreg $0x60  }
0xae: {  	[dreg:$0x2] =	wrdreg s24  }
0xaf: {  	[dreg:$0x3] =	wrdreg $0x50000  }
0xb0: {  	[dreg:$0x4] =	wrdreg $0x9  }
0xb1: {  	_ =	task.clear_ibuf [dreg:s6], $0x5FFFF;
	_ =	strace $0x90000046  }
0xb2: {  	s29 =	simm.s32 $0x9;
	_ =	strace $0x80000048  }
0xb3: {  	_ =	swait.ge [sflag:s29], $0x1  }
0xb4: {  	[sflag:s29] =	ssyncadd.s32 $0xFFFFFFFF  }
0xb5: {  	_ =	strace $0x90000048  }
0xb6: {  	_ =	sfence  }
0xb7: {  	s30 =	sld [smem:$0x0];
	_ =	sdelay $0x2  }
0xb8: {  	s31 =	sshll.u32 s1, $0xD;
	s1 =	sshrl.u32 s1, $0x2  }
0xb9: {  	s3 =	sand.u32 $0x4000, s31;
	s1 =	sadd.s32 s1, s30  }
0xba: {  	s0 =	sor.u32 s3, s0;
	s1 =	sshll.u32 s1, $0x11  }
0xbb: {  	s0 =	sor.u32 s1, s0  }
0xbc: {  	s0 =	sadd.s32 $0x8F2B, s0  }
0xbd: {  	[sflag:s0] =	ssyncadd.remote.s32 $0x1  }
0xbe: {  	_ =	sfence.sel $0xFFFF  }
0xbf: {  	[dreg:$0x0] =	wrdreg $0xFFFFFFFF;
	(pc) =	sbr.abs _section_cstart, $3  }
0xc0: {  	[dreg:$0x1] =	wrdreg $0xFFFFFFFF  }
0xc1: {  	_ =	task.clear_ibuf [dreg:s6], $0x2FFFF;
	_ =	strace $0x9FFFFFFF  }
0xc2: {  	(tm) =	ssettm $0x7FFFFFFF  }
0xc3: {  	_ =	shalt  }
tec
execute0_lowered:
.L_overlay_start_1:
0x0: {  	(tag) =	ssettag $0x1  }
0x1: {  	s0 =	srdreg.scid;
	s7 =	rddreg [dreg:$0x0]  }
0x2: {  	s2 =	rddreg [dreg:$0x1];
	s3 =	simm.s32 $0x0;
	s6 =	sand.u32 $0x1, s0  }
0x3: {  	s14 =	simm.s32 $0x64;
	s0 =	stileid.u32;
	s8 =	smul.u32 $0x27100, s6  }
0x4: {  	s15 =	simm.s32 $0x0;
	[smem:$0x7FF] =	sst s3;
	s9 =	smul.u32 $0x3E80, s0  }
0x5: {  	s1 =	sshll.u32 s6, $0x4;
	s10 =	smul.u32 $0x7D000, s0;
	s6 =	ssub.s32 $0x2, s6  }
0x6: {  	p0 =	sgt.u32 s0, $0x9;
	s4 =	sor.u32 s0, s1;
	s1 =	rddreg [dreg:$0x2]  }
0x7: {  	_ =	strace $0x80000047;
	s31 =	sshrl.u32 s6, $0x1;
	s12 =	sshll.u32 @!p0 s0, $0x6  }
0x8: {  	s5 =	smul.u32 $0x3800, s4;
	s4 =	sadd.s32 $0x14E00, s7;
	s8 =	sadd.s32 s9, s8  }
0x9: {  	s10 =	sshrl.u32 s10, $0x2;
	s9 =	ssub.s32 s6, s31;
	s12 =	sor.u32 @!p0 $0x1C01, s12  }
0xa: {  	s8 =	sadd.s32 s8, s7;
	s13 =	sadd.s32 s10, s2;
	s9 =	smax.u32 s9, $0x1  }
0xb: {  	s10 =	simm.s32 $0x1C00;
	s5 =	sshrl.u32 s5, $0x3;
	s8 =	sadd.s32 $0x15600, s8  }
0xc: {  	s13 =	sshrl.u32 @!p0 s13, $0x3;
	s11 =	sadd.s32 s5, s7;
	s5 =	sadd.s32 $0x10E00, s7  }
0xd: {  	s6 =	sadd.s32 $0x2E00, s11;
	s7 =	sadd.s32 $0x3180, s11;
	s11 =	simm.s32 $0x1  }
.LBB2_1:
0xe: {  	[tilespmem:s10], [sflag:$0x1] =	stream.linear.gather [hbm4b:s4+s3], $0x3200, $0x38;
	[tilespmem:$0x18880] =	vst v63  }
0xf: {  	_ =	swait.ge [sflag:s11], $0x3200  }
0x10: {  	[sflag:s11] =	ssyncset.done $0x0  }
0x11: {  	s16 =	simm.s32 @!p0 $0x1;
	[sflag:s11] =	ssyncadd.s32 $0xFFFFCE00  }
0x12: {  	[spmem:s13], [sflag:s12] =	dma.local @!p0 [hbm:s5], $0x3E80  }
0x13: {  	_ =	swait.ge @!p0 [sflag:s16], $0x3E80  }
0x14: {  	[sflag:s16] =	ssyncset.done @!p0 $0x0  }
0x15: {  	[sflag:s16] =	ssyncadd.s32 @!p0 $0xFFFFC180  }
0x16: {  	[bflag:$0x0] =	sbarrier.arrive $0xFFFF  }
0x17: {  	[tilespmem:s3], [sflag:$0x1] =	stream.linear.gather [hbm4b:s6+s3], $0x1900, $0x38;
	[tilespmem:$0x18880] =	vst v63  }
0x18: {  	_ =	swait.ge [sflag:s11], $0x1900  }
0x19: {  	[sflag:s11] =	ssyncset.done $0x0  }
0x1a: {  	s31 =	simm.s32 $0x0;
	[sflag:s11] =	ssyncadd.s32 $0xFFFFE700  }
0x1b: {  	[spmem:s2] =	stream.indirect.scatter.add.f32 [tilespmem:s10], [sflag:$0x1], $0x80, s31, s14, $0xb8;
	[tilespmem:$0x18880] =	vst v63  }
0x1c: {  	_ =	swait.ge [sflag:s11], $0x3200  }
0x1d: {  	s16 =	simm.s32 $0x200;
	[sflag:s11] =	ssyncset.done $0x0  }
.LBB2_2:
0x1e: {  	s17 =	sshra.s32 s16, $0x2;
	[sflag:s11] =	ssyncadd.s32 $0xFFFFCE00;
	p1 =	sne.s32 s16, $0x6200  }
0x1f: {  	[spmem:s2] =	stream.indirect.scatter.add.f32 [tilespmem:s10], [sflag:$0x1], $0x80, s17, s14, $0xb8;
	[tilespmem:$0x18880] =	vst v63  }
.Ltmp0:
0x20: {  	_ = 	snop;
	(pc) =	sbr.rel @p1 .LBB2_2-.Ltmp0, $4  }
0x21: {  	_ = 	snop  }
0x22: {  	s16 =	sadd.s32 $0x200, s16  }
0x23: {  	_ =	swait.ge [sflag:s11], $0x3200  }
0x24: {  	[sflag:s11] =	ssyncset.done $0x0  }
0x25: {  	[sflag:s11] =	ssyncadd.s32 $0xFFFFCE00;
	s16 =	simm.s32 $0x0  }
0x26: {  	[tilespmem:s16], [sflag:$0x1] =	stream.linear.gather [hbm4b:s7+s16], $0x1900, $0x38;
	[tilespmem:$0x18880] =	vst v63  }
0x27: {  	_ =	swait.ge [sflag:s11], $0x1900  }
0x28: {  	[sflag:s11] =	ssyncset.done $0x0  }
0x29: {  	s31 =	simm.s32 $0x0;
	[sflag:s11] =	ssyncadd.s32 $0xFFFFE700  }
0x2a: {  	[spmem:s2] =	stream.indirect.scatter.add.f32 [tilespmem:s10], [sflag:$0x1], $0x80, s31, s14, $0xb8;
	[tilespmem:$0x18880] =	vst v63  }
0x2b: {  	_ =	swait.ge [sflag:s11], $0x3200  }
0x2c: {  	s16 =	simm.s32 $0x200;
	[sflag:s11] =	ssyncset.done $0x0  }
.LBB2_4:
0x2d: {  	s17 =	sshra.s32 s16, $0x2;
	[sflag:s11] =	ssyncadd.s32 $0xFFFFCE00;
	p1 =	sne.s32 s16, $0x6200  }
0x2e: {  	[spmem:s2] =	stream.indirect.scatter.add.f32 [tilespmem:s10], [sflag:$0x1], $0x80, s17, s14, $0xb8;
	[tilespmem:$0x18880] =	vst v63  }
.Ltmp1:
0x2f: {  	_ = 	snop;
	(pc) =	sbr.rel @p1 .LBB2_4-.Ltmp1, $4  }
0x30: {  	_ = 	snop  }
0x31: {  	s16 =	sadd.s32 $0x200, s16  }
0x32: {  	_ =	swait.ge [sflag:s11], $0x3200  }
0x33: {  	[sflag:s11] =	ssyncset.done $0x0  }
0x34: {  	s15 =	sadd.s32 $0x1, s15  }
0x35: {  	[sflag:s11] =	ssyncadd.s32 $0xFFFFCE00;
	p1 =	sne.s32 s15, s9  }
.Ltmp2:
0x36: {  	s16 =	simm.s32 @!p0 $0x1;
	[bflag:$0x0] =	sbarrier.arrive $0xFFFF;
	(pc) =	sbr.rel @p1 .LBB2_1-.Ltmp2, $4  }
0x37: {  	[hbm:s8], [sflag:s12] =	dma.local @!p0 [spmem:s13], $0x3E80  }
0x38: {  	_ =	swait.ge @!p0 [sflag:s16], $0x3E80  }
0x39: {  	[sflag:s16] =	ssyncset.done @!p0 $0x0  }
0x3a: {  	[sflag:s16] =	ssyncadd.s32 @!p0 $0xFFFFC180  }
0x3b: {  	_ =	sfence.sel $0x180000  }
0x3c: {  	[bflag:$0x0] =	sbarrier.arrive $0xFFFF  }
0x3d: {  	p0 =	sne.s32 s0, $0x0;
	_ =	strace $0x90000047  }
0x3e: {  	s0 =	sadd.s32 @!p0 $0x100000, s1;
	[bflag:$0x2] =	sbarrier.arrive $0xFFFF  }
0x3f: {  	[sflag:s0] =	ssyncadd.tile.s32 @!p0 $0x1;
	_ =	shalt  }
.Lfunc_end2:
_tile_overlayer_lowered:
.L_overlay_start_2:
0x40: {  	(tag) =	ssettag $0x2  }
0x41: {  	s0 =	rddreg [dreg:$0x0];
	s2 =	stileid.u32  }
0x42: {  	s1 =	rddreg [dreg:$0x1];
	p0 =	sne.s32 s2, $0x0  }
0x43: {  	s3 =	rddreg [dreg:$0x2];
	[bflag:$0x3] =	sbarrier.arrive $0xFFFF;
	s2 =	simm.s32 @!p0 $0x1C01  }
0x44: {  	[timem:s3], [sflag:s2] =	dma.local @!p0 [hbm:s0], s1  }
0x45: {  	s0 =	simm.s32 @!p0 $0x1  }
0x46: {  	_ =	swait.ge @!p0 [sflag:s0], s1  }
0x47: {  	s1 =	ssub.s32 @!p0 $0x0, s1;
	[sflag:s0] =	ssyncset.done @!p0 $0x0  }
0x48: {  	[sflag:s0] =	ssyncadd.s32 @!p0 s1  }
0x49: {  	[bflag:$0x3] =	sbarrier.arrive $0xFFFF  }
0x4a: {  	_ =	shalt  }

// kernel: kernel.13.cloned.1.call-start
scs
__scs_entry_jumppad:
0x0: {  	(pc) =	sbr.rel $0x88, $3  }
0x1: {  	(tag) =	ssettag $0x0;
	lr =	simm.s32 $0x1  }
0x2: {  	[smem:$0x3F96] =	sst lr;
	_ =	strace $0xD0000000  }
0x3: {  	_ = 	snop  }
0x4: {  	_ = 	snop  }
0x5: {  	_ = 	snop  }
0x6: {  	_ = 	snop  }
0x7: {  	_ = 	snop  }
__scs_overlays_trampoline_lowered:
0x8: {  	[smem:$0x3FA5] =	sst s0  }
0x9: {  	[smem:$0x3FA6] =	sst s1  }
0xa: {  	[smem:$0x3FA7] =	sst s2  }
0xb: {  	[smem:$0x3FA8] =	sst s3  }
0xc: {  	[smem:$0x3FA9] =	sst s4  }
0xd: {  	[smem:$0x3FAA] =	sst s5  }
0xe: {  	[smem:$0x3FAB] =	sst s6  }
0xf: {  	[smem:$0x3FAC] =	sst s7  }
0x10: {  	[smem:$0x3FAD] =	sst s8  }
0x11: {  	[smem:$0x3FAE] =	sst s9;
	s0 =	simm.s32 @!p0 $0x0  }
0x12: {  	s1 =	sld [smem:$0x3F94];
	s0 =	simm.s32 @p0 $0x1  }
0x13: {  	[smem:$0x3FAF] =	sst s0;
	s0 =	simm.s32 @!p1 $0x0  }
0x14: {  	s2 =	sld [smem:$0x3F93];
	s0 =	simm.s32 @p1 $0x1  }
0x15: {  	[smem:$0x3FB0] =	sst s0;
	s0 =	simm.s32 @!p2 $0x0  }
0x16: {  	s3 =	sld [smem:$0x3FDB];
	s0 =	simm.s32 @p2 $0x1  }
0x17: {  	s4 =	simm.s32 $0x1BF5;
	[smem:$0x3FB2] =	sst s0  }
0x18: {  	s0 =	sld [smem:$0x3F95];
	_ =	swait.ge [sflag:s4], $0x0  }
0x19: {  	s7 =	sld [smem:$0x3F96]  }
0x1a: {  	s8 =	sadd.s32 $0xFFFFE003, lr  }
0x1b: {  	s9 =	sadd.s32 $0xFFFFFEF7, lr;
	s5 =	simm.s32 $0xFFFFFFFF;
	p2 =	slt.u32 s8, $0xFFFFF086  }
0x1c: {  	p1 =	slt.u32 s9, $0xF7A;
	s5 =	simm.s32 @!p2 $0x0  }
0x1d: {  	s5 =	simm.s32 @p1 $0x1;
	p0 =	seq.s32 s7, s2  }
0x1e: {  	s7 =	smul.u32 @!p0 $0xF7A, s2;
	p2 =	seq.s32 @!p0 s5, $0x0  }
0x1f: {  	s9 =	smul.u32 $0xF7A, s1;
	s8 =	simm.s32 @!p0 $0x1BF5;
	p2 =	por !p2, p0  }
0x20: {  	[sflag:s8] =	ssyncset.s32 @!p0 $0xFFFFF086;
	s6 =	sadd.s32 @!p0 s3, s7;
	s7 =	simm.s32 @!p0 $0x108  }
0x21: {  	s3 =	sadd.s32 s3, s9;
	s6 =	sadd.s32 @!p0 $0x88, s6;
	s7 =	simm.s32 @p2 $0x1082  }
0x22: {  	[simem:s7], [sflag:s8] =	dma.local @!p0 [hbm:s6], $0xF7A  }
0x23: {  	s9 =	sor.u32 $0xD0000000, s2;
	s6 =	simm.s32 $0x108;
	_ =	swait.ge @!p0 [sflag:s8], $0x0  }
0x24: {  	s3 =	sadd.s32 $0x88, s3;
	s6 =	simm.s32 @!p1 $0x1082;
	[sflag:s4] =	ssyncset.s32 $0xFFFFF086  }
0x25: {  	[simem:s6], [sflag:s4] =	dma.local [hbm:s3], $0xF7A  }
0x26: {  	[smem:$0x3F96] =	sst s1;
	(tag) =	ssettag s2;
	_ =	strace s9  }
0x27: {  	s1 =	sld [smem:$0x3FA6]  }
0x28: {  	s2 =	sld [smem:$0x3FA7]  }
0x29: {  	s4 =	sld [smem:$0x3FA9]  }
0x2a: {  	p0 =	seq.s32 s5, $0x0;
	s5 =	sld [smem:$0x3FAA]  }
0x2b: {  	s6 =	sld [smem:$0x3FAB]  }
0x2c: {  	s7 =	sld [smem:$0x3FAC]  }
0x2d: {  	s3 =	simm.s32 $0x108;
	s8 =	sld [smem:$0x3FAD]  }
0x2e: {  	s3 =	simm.s32 @!p0 $0x1082;
	s9 =	sld [smem:$0x3FAE]  }
0x2f: {  	lr =	sadd.s32 s0, s3;
	s0 =	sld [smem:$0x3FA5]  }
0x30: {  	s3 =	sld [smem:$0x3FA8]  }
0x31: {  	[smem:$0x3FB1] =	sst s10  }
0x32: {  	s10 =	sld [smem:$0x3FAF];
	_ =	sdelay $0x3  }
0x33: {  	p0 =	seq.s32 s10, $0x1;
	s10 =	sld [smem:$0x3FB1];
	_ =	sdelay $0x3  }
0x34: {  	[smem:$0x3FB1] =	sst s10  }
0x35: {  	s10 =	sld [smem:$0x3FB0];
	_ =	sdelay $0x3  }
0x36: {  	p1 =	seq.s32 s10, $0x1;
	s10 =	sld [smem:$0x3FB1];
	_ =	sdelay $0x3  }
0x37: {  	[smem:$0x3FB1] =	sst s10  }
0x38: {  	s10 =	sld [smem:$0x3FB2]  }
0x39: {  	_ = 	snop;
	(pc) =	sbr.ind lr, $3  }
0x3a: {  	_ = 	snop  }
0x3b: {  	_ = 	snop  }
0x3c: {  	p2 =	seq.s32 s10, $0x1;
	s10 =	sld [smem:$0x3FB1]  }
0x3d: {  	_ =	shalt  }
0x3e: {  	_ =	shalt  }
0x3f: {  	_ =	shalt  }
0x40: {  	_ =	shalt  }
0x41: {  	_ =	shalt  }
0x42: {  	_ =	shalt  }
0x43: {  	_ =	shalt  }
0x44: {  	_ =	shalt  }
0x45: {  	_ =	shalt  }
0x46: {  	_ =	shalt  }
0x47: {  	_ =	shalt  }
0x48: {  	_ =	shalt  }
0x49: {  	_ =	shalt  }
0x4a: {  	_ =	shalt  }
0x4b: {  	_ =	shalt  }
0x4c: {  	_ =	shalt  }
0x4d: {  	_ =	shalt  }
0x4e: {  	_ =	shalt  }
0x4f: {  	_ =	shalt  }
0x50: {  	_ =	shalt  }
0x51: {  	_ =	shalt  }
0x52: {  	_ =	shalt  }
0x53: {  	_ =	shalt  }
0x54: {  	_ =	shalt  }
0x55: {  	_ =	shalt  }
0x56: {  	_ =	shalt  }
0x57: {  	_ =	shalt  }
0x58: {  	_ =	shalt  }
0x59: {  	_ =	shalt  }
0x5a: {  	_ =	shalt  }
0x5b: {  	_ =	shalt  }
0x5c: {  	_ =	shalt  }
0x5d: {  	_ =	shalt  }
0x5e: {  	_ =	shalt  }
0x5f: {  	_ =	shalt  }
0x60: {  	_ =	shalt  }
0x61: {  	_ =	shalt  }
0x62: {  	_ =	shalt  }
0x63: {  	_ =	shalt  }
0x64: {  	_ =	shalt  }
0x65: {  	_ =	shalt  }
0x66: {  	_ =	shalt  }
0x67: {  	_ =	shalt  }
0x68: {  	_ =	shalt  }
0x69: {  	_ =	shalt  }
0x6a: {  	_ =	shalt  }
0x6b: {  	_ =	shalt  }
0x6c: {  	_ =	shalt  }
0x6d: {  	_ =	shalt  }
0x6e: {  	_ =	shalt  }
0x6f: {  	_ =	shalt  }
0x70: {  	_ =	shalt  }
0x71: {  	_ =	shalt  }
0x72: {  	_ =	shalt  }
0x73: {  	_ =	shalt  }
0x74: {  	_ =	shalt  }
0x75: {  	_ =	shalt  }
0x76: {  	_ =	shalt  }
0x77: {  	_ =	shalt  }
0x78: {  	_ =	shalt  }
0x79: {  	_ =	shalt  }
0x7a: {  	_ =	shalt  }
0x7b: {  	_ =	shalt  }
0x7c: {  	_ =	shalt  }
0x7d: {  	_ =	shalt  }
0x7e: {  	_ =	shalt  }
0x7f: {  	_ =	shalt  }
0x80: {  	_ =	shalt  }
0x81: {  	_ =	shalt  }
0x82: {  	_ =	shalt  }
0x83: {  	_ =	shalt  }
0x84: {  	_ =	shalt  }
0x85: {  	_ =	shalt  }
0x86: {  	_ =	shalt  }
0x87: {  	_ =	shalt  }
.Lfunc_end0:
.L_simem_size_0:
called_computation.1_lowered:
.L_overlay_start_0:
0x88: {  	s2 =	sld [smem:$0x3FD9]  }
0x89: {  	s3 =	sld [smem:$0x3FFE];
	_ =	sdelay $0x1  }
0x8a: {  	s1 =	srdreg.scid  }
0x8b: {  	s0 =	sand.u32 $0x1, s1  }
0x8c: {  	s16 =	sshll.u32 s0, $0xA;
	s2 =	sadd.s32 s3, s2  }
0x8d: {  	s2 =	sadd.s32 s2, s16  }
0x8e: {  	[smem:$0x3FBD] =	sst s2  }
0x8f: {  	_ = 	snop  }
0x90: {  	(tm) =	ssettm $0x1  }
0x91: {  	s17 =	sld [smem:$0x3FFB];
	_ =	sdelay $0x3  }
0x92: {  	_ =	strace s17  }
0x93: {  	s2 =	sld [smem:$0x3FFC];
	_ =	sdelay $0x3  }
0x94: {  	_ =	strace s2  }
0x95: {  	s2 =	sld [smem:$0x3FFD];
	_ =	sdelay $0x3  }
0x96: {  	_ =	strace s2  }
0x97: {  	_ =	strace $0x8FFFFFFF  }
0x98: {  	s18 =	sld [smem:$0x3FDB];
	_ =	sdelay $0x1  }
0x99: {  	s19 =	simm.s32 $_scs_section_size  }
0x9a: {  	s4 =	simm.s32 $_size__tile_overlayer_lowered;
	s5 =	simm.s32 $_tile_overlayer_lowered  }
0x9b: {  	s22 =	simm.s32 $0x1BFF;
	s21 =	sshll.u32 s5, $0x1;
	s2 =	sadd.s32 s19, s18  }
0x9c: {  	s6 =	simm.s32 $0x0;
	s20 =	sshll.u32 s4, $0x1;
	s4 =	sadd.s32 s21, s2  }
0x9d: {  	[timem:s6], [sflag:s22] =	dma.local [hbm:s4], s20  }
0x9e: {  	_ =	swait.ge [sflag:s22], s20  }
0x9f: {  	s3 =	ssub.s32 $0x0, s20;
	[sflag:s22] =	ssyncset.done $0x0  }
0xa0: {  	[sflag:s22] =	ssyncadd.s32 s3;
	_ =	sdelay $0x1  }
0xa1: {  	s23 =	simm.s32 $0x1B8B  }
0xa2: {  	_ =	swait.ge [sflag:s23], $0x1  }
0xa3: {  	[sflag:s23] =	ssyncset.done $0x0  }
0xa4: {  	s25 =	simm.s32 $0x1B8E;
	s24 =	sld [smem:$0x3FFE];
	[sflag:s23] =	ssyncadd.s32 $0xFFFFFFFF  }
0xa5: {  	s26 =	simm.s32 $execute0_lowered;
	[smem:$0x3FD2] =	sst s25  }
0xa6: {  	s4 =	sshll.u32 s26, $0x1;
	_ =	strace $0x80000049;
	[dreg:$0x1] =	wrdreg $0xFFFFFFFF  }
0xa7: {  	s28 =	simm.s32 $_size_execute0_lowered;
	s2 =	sadd.s32 s2, s4;
	[dreg:$0x0] =	wrdreg $0x0  }
0xa8: {  	s4 =	sshll.u32 s28, $0x1;
	[dreg:$0x2] =	wrdreg s2  }
0xa9: {  	[dreg:$0x3] =	wrdreg s4  }
0xaa: {  	[dreg:$0x4] =	wrdreg $0xC0  }
0xab: {  	_ =	task [dreg:s6], $0x5FFFF  }
0xac: {  	[dreg:$0x1] =	wrdreg $0xFFFFFFFF  }
0xad: {  	[dreg:$0x0] =	wrdreg $0x60  }
0xae: {  	[dreg:$0x2] =	wrdreg s24  }
0xaf: {  	[dreg:$0x3] =	wrdreg $0xA0000  }
0xb0: {  	[dreg:$0x4] =	wrdreg $0x9  }
0xb1: {  	_ =	task.clear_ibuf [dreg:s6], $0x5FFFF;
	_ =	strace $0x90000049  }
0xb2: {  	s29 =	simm.s32 $0x9;
	_ =	strace $0x8000004B  }
0xb3: {  	_ =	swait.ge [sflag:s29], $0x1  }
0xb4: {  	[sflag:s29] =	ssyncadd.s32 $0xFFFFFFFF  }
0xb5: {  	_ =	strace $0x9000004B  }
0xb6: {  	_ =	sfence  }
0xb7: {  	s30 =	sld [smem:$0x0];
	_ =	sdelay $0x2  }
0xb8: {  	s31 =	sshll.u32 s1, $0xD;
	s1 =	sshrl.u32 s1, $0x2  }
0xb9: {  	s3 =	sand.u32 $0x4000, s31;
	s1 =	sadd.s32 s1, s30  }
0xba: {  	s0 =	sor.u32 s3, s0;
	s1 =	sshll.u32 s1, $0x11  }
0xbb: {  	s0 =	sor.u32 s1, s0  }
0xbc: {  	s0 =	sadd.s32 $0x8F2B, s0  }
0xbd: {  	[sflag:s0] =	ssyncadd.remote.s32 $0x1  }
0xbe: {  	_ =	sfence.sel $0xFFFF  }
0xbf: {  	[dreg:$0x0] =	wrdreg $0xFFFFFFFF;
	(pc) =	sbr.abs _section_cstart, $3  }
0xc0: {  	[dreg:$0x1] =	wrdreg $0xFFFFFFFF  }
0xc1: {  	_ =	task.clear_ibuf [dreg:s6], $0x2FFFF;
	_ =	strace $0x9FFFFFFF  }
0xc2: {  	(tm) =	ssettm $0x7FFFFFFF  }
0xc3: {  	_ =	shalt  }
tec
execute0_lowered:
.L_overlay_start_1:
0x0: {  	(tag) =	ssettag $0x1  }
0x1: {  	s6 =	rddreg [dreg:$0x0]  }
0x2: {  	s1 =	rddreg [dreg:$0x1]  }
0x3: {  	s0 =	rddreg [dreg:$0x2];
	s2 =	simm.s32 $0x0  }
0x4: {  	s3 =	srdreg.scid;
	s15 =	simm.s32 $0x1C00;
	s16 =	simm.s32 $0x64  }
0x5: {  	s17 =	simm.s32 $0x3800;
	s18 =	simm.s32 $0x6C00;
	s19 =	simm.s32 $0x1  }
0x6: {  	s20 =	simm.s32 $0x2;
	s21 =	simm.s32 $0x1880;
	s22 =	simm.s32 $0x3400  }
0x7: {  	s23 =	simm.s32 $0x3480;
	s24 =	simm.s32 $0x0;
	[smem:$0x7FF] =	sst s2  }
0x8: {  	s7 =	sand.u32 $0x1, s3;
	s3 =	stileid.u32;
	s4 =	sadd.s32 $0x71800, s6  }
0x9: {  	s10 =	sadd.s32 $0x63800, s6;
	s12 =	sadd.s32 $0x2E00, s6;
	s5 =	smul.u32 $0x27100, s7  }
0xa: {  	_ =	strace $0x8000004A;
	s8 =	smul.u32 $0x3E80, s3;
	s9 =	sshll.u32 s7, $0x4  }
0xb: {  	s11 =	smul.u32 $0x7D000, s3;
	s29 =	ssub.s32 $0x2, s7;
	s9 =	sor.u32 s3, s9  }
0xc: {  	p0 =	sgt.u32 s3, $0x9;
	s7 =	sshrl.u32 s29, $0x1;
	s9 =	smul.u32 $0x3800, s9  }
0xd: {  	s8 =	sadd.s32 s8, s5;
	s5 =	sadd.s32 $0x10E00, s6;
	s30 =	sshrl.u32 s11, $0x2  }
0xe: {  	s31 =	ssub.s32 s29, s7;
	s13 =	sadd.s32 s8, s6;
	s9 =	sshrl.u32 s9, $0x3  }
0xf: {  	s6 =	sadd.s32 s10, s9;
	s7 =	sadd.s32 s12, s9;
	s9 =	sadd.s32 $0x380, s9  }
0x10: {  	s14 =	sadd.s32 s30, s1;
	s11 =	smax.u32 s31, $0x1;
	s8 =	sadd.s32 s10, s9  }
0x11: {  	s9 =	sadd.s32 s12, s9;
	s12 =	sshll.u32 @!p0 s3, $0x6;
	s10 =	sadd.s32 $0x98A00, s13  }
0x12: {  	s13 =	sshrl.u32 @!p0 s14, $0x3;
	s14 =	simm.s32 $0x3;
	s12 =	sor.u32 @!p0 $0x1C03, s12  }
.LBB2_1:
0x13: {  	[spmem:s13], [sflag:s12] =	dma.local @!p0 [hbm:s5], $0x3E80  }
0x14: {  	s25 =	simm.s32 @!p0 $0x3  }
0x15: {  	_ =	swait.ge @!p0 [sflag:s25], $0x3E80  }
0x16: {  	[sflag:s25] =	ssyncset.done @!p0 $0x0  }
0x17: {  	[sflag:s25] =	ssyncadd.s32 @!p0 $0xFFFFC180  }
0x18: {  	[bflag:$0x0] =	sbarrier.arrive $0xFFFF  }
0x19: {  	[tilespmem:s2], [sflag:$0x3] =	stream.linear.gather [hbm4b:s6+s2], $0x1900, $0x38;
	[tilespmem:$0x1D880] =	vst v63  }
0x1a: {  	_ =	swait.ge [sflag:s14], $0x1900  }
0x1b: {  	[sflag:s14] =	ssyncset.done $0x0  }
0x1c: {  	[sflag:s14] =	ssyncadd.s32 $0xFFFFE700  }
0x1d: {  	[tilespmem:s15], [sflag:$0x3] =	stream.linear.gather [hbm4b:s7+s2], $0x1900, $0x38;
	[tilespmem:$0x1D880] =	vst v63  }
0x1e: {  	_ =	swait.ge [sflag:s14], $0x1900  }
0x1f: {  	[sflag:s14] =	ssyncset.done $0x0  }
0x20: {  	[sflag:s14] =	ssyncadd.s32 $0xFFFFE700  }
0x21: {  	[tilespmem:s17], [sflag:$0x1] =	stream.indirect.gather [hbm4b:s4+s16], $0x80, s2, s16, $0xb8;
	[tilespmem:$0x1D880] =	vst v63  }
0x22: {  	s28 =	simm.s32 $0x80  }
0x23: {  	[tilespmem:s18], [sflag:$0x2] =	stream.indirect.gather [hbm4b:s4+s16], $0x80, s28, s16, $0xb8;
	[tilespmem:$0x1D880] =	vst v63  }
0x24: {  	_ =	swait.ge [sflag:s19], $0x3200  }
0x25: {  	[sflag:s19] =	ssyncset.done $0x0  }
0x26: {  	s29 =	simm.s32 $0x1C00;
	[sflag:s19] =	ssyncadd.s32 $0xFFFFCE00  }
0x27: {  	[spmem:s1] =	stream.indirect.scatter.add.f32 [tilespmem:s17], [sflag:$0x3], $0x80, s29, s16, $0xb8;
	[tilespmem:$0x1D880] =	vst v63  }
0x28: {  	_ =	swait.ge [sflag:s14], $0x3200  }
0x29: {  	[sflag:s14] =	ssyncset.done $0x0  }
0x2a: {  	s30 =	simm.s32 $0x100;
	[sflag:s14] =	ssyncadd.s32 $0xFFFFCE00  }
0x2b: {  	[tilespmem:s17], [sflag:$0x1] =	stream.indirect.gather [hbm4b:s4+s16], $0x80, s30, s16, $0xb8;
	[tilespmem:$0x1D880] =	vst v63  }
0x2c: {  	_ =	swait.ge [sflag:s20], $0x3200  }
0x2d: {  	[sflag:s20] =	ssyncset.done $0x0  }
0x2e: {  	s31 =	simm.s32 $0x1C80;
	[sflag:s20] =	ssyncadd.s32 $0xFFFFCE00  }
0x2f: {  	[spmem:s1] =	stream.indirect.scatter.add.f32 [tilespmem:s18], [sflag:$0x3], $0x80, s31, s16, $0xb8;
	[tilespmem:$0x1D880] =	vst v63  }
0x30: {  	_ =	swait.ge [sflag:s14], $0x3200  }
0x31: {  	s26 =	simm.s32 $0x800;
	s25 =	simm.s32 $0x100;
	[sflag:s14] =	ssyncset.done $0x0  }
.LBB2_2:
0x32: {  	s28 =	sadd.s32 $0x80, s25  }
0x33: {  	[sflag:s14] =	ssyncadd.s32 $0xFFFFCE00;
	s29 =	smov.u32 s26;
	s30 =	sadd.s32 $0x400, s26  }
0x34: {  	[tilespmem:s18], [sflag:$0x2] =	stream.indirect.gather [hbm4b:s4+s16], $0x80, s28, s16, $0xb8;
	[tilespmem:$0x1D880] =	vst v63  }
0x35: {  	p1 =	sne.s32 s26, $0x5C00;
	_ =	swait.ge [sflag:s19], $0x3200  }
0x36: {  	[sflag:s19] =	ssyncset.done $0x0  }
0x37: {  	s26 =	sadd.s32 $0x1C00, s25;
	[sflag:s19] =	ssyncadd.s32 $0xFFFFCE00  }
0x38: {  	[spmem:s1] =	stream.indirect.scatter.add.f32 [tilespmem:s17], [sflag:$0x3], $0x80, s26, s16, $0xb8;
	[tilespmem:$0x1D880] =	vst v63  }
0x39: {  	_ =	swait.ge [sflag:s14], $0x3200  }
0x3a: {  	[sflag:s14] =	ssyncset.done $0x0  }
0x3b: {  	s26 =	sadd.s32 $0x100, s25;
	[sflag:s14] =	ssyncadd.s32 $0xFFFFCE00  }
0x3c: {  	[tilespmem:s17], [sflag:$0x1] =	stream.indirect.gather [hbm4b:s4+s16], $0x80, s26, s16, $0xb8;
	[tilespmem:$0x1D880] =	vst v63  }
0x3d: {  	_ =	swait.ge [sflag:s20], $0x3200  }
.Ltmp0:
0x3e: {  	[sflag:s20] =	ssyncset.done $0x0;
	(pc) =	sbr.rel @p1 .LBB2_2-.Ltmp0, $4  }
0x3f: {  	s25 =	sadd.s32 $0x1C80, s25;
	[sflag:s20] =	ssyncadd.s32 $0xFFFFCE00  }
0x40: {  	[spmem:s1] =	stream.indirect.scatter.add.f32 [tilespmem:s18], [sflag:$0x3], $0x80, s25, s16, $0xb8;
	[tilespmem:$0x1D880] =	vst v63  }
0x41: {  	_ =	swait.ge [sflag:s14], $0x3200  }
0x42: {  	s26 =	smov.u32 s30;
	s25 =	sshra.s32 s29, $0x2;
	[sflag:s14] =	ssyncset.done $0x0  }
0x43: {  	s26 =	sadd.s32 $0x80, s25;
	[sflag:s14] =	ssyncadd.s32 $0xFFFFCE00  }
0x44: {  	[tilespmem:s18], [sflag:$0x2] =	stream.indirect.gather [hbm4b:s4+s16], $0x80, s26, s16, $0xb8;
	[tilespmem:$0x1D880] =	vst v63  }
0x45: {  	_ =	swait.ge [sflag:s19], $0x3200  }
0x46: {  	[sflag:s19] =	ssyncset.done $0x0  }
0x47: {  	s29 =	sadd.s32 $0x1C00, s25;
	[sflag:s19] =	ssyncadd.s32 $0xFFFFCE00  }
0x48: {  	[spmem:s1] =	stream.indirect.scatter.add.f32 [tilespmem:s17], [sflag:$0x3], $0x80, s29, s16, $0xb8;
	[tilespmem:$0x1D880] =	vst v63  }
0x49: {  	_ =	swait.ge [sflag:s14], $0x3200  }
0x4a: {  	[sflag:s14] =	ssyncset.done $0x0  }
0x4b: {  	s30 =	sadd.s32 $0x100, s25;
	[sflag:s14] =	ssyncadd.s32 $0xFFFFCE00  }
0x4c: {  	[tilespmem:s17], [sflag:$0x1] =	stream.indirect.gather [hbm4b:s4+s16], $0x80, s30, s16, $0xb8;
	[tilespmem:$0x1D880] =	vst v63  }
0x4d: {  	_ =	swait.ge [sflag:s20], $0x3200  }
0x4e: {  	[sflag:s20] =	ssyncset.done $0x0  }
0x4f: {  	s31 =	sadd.s32 $0x1C80, s25;
	[sflag:s20] =	ssyncadd.s32 $0xFFFFCE00  }
0x50: {  	[spmem:s1] =	stream.indirect.scatter.add.f32 [tilespmem:s18], [sflag:$0x3], $0x80, s31, s16, $0xb8;
	[tilespmem:$0x1D880] =	vst v63  }
0x51: {  	_ =	swait.ge [sflag:s14], $0x3200  }
0x52: {  	[sflag:s14] =	ssyncset.done $0x0  }
0x53: {  	[sflag:s14] =	ssyncadd.s32 $0xFFFFCE00  }
0x54: {  	[tilespmem:s18], [sflag:$0x2] =	stream.indirect.gather [hbm4b:s4+s16], $0x80, s21, s16, $0xb8;
	[tilespmem:$0x1D880] =	vst v63  }
0x55: {  	_ =	swait.ge [sflag:s19], $0x3200  }
0x56: {  	[sflag:s19] =	ssyncset.done $0x0  }
0x57: {  	[sflag:s19] =	ssyncadd.s32 $0xFFFFCE00  }
0x58: {  	[spmem:s1] =	stream.indirect.scatter.add.f32 [tilespmem:s17], [sflag:$0x3], $0x80, s22, s16, $0xb8;
	[tilespmem:$0x1D880] =	vst v63  }
0x59: {  	_ =	swait.ge [sflag:s14], $0x3200  }
0x5a: {  	[sflag:s14] =	ssyncset.done $0x0  }
0x5b: {  	[sflag:s14] =	ssyncadd.s32 $0xFFFFCE00  }
0x5c: {  	_ =	swait.ge [sflag:s20], $0x3200  }
0x5d: {  	[sflag:s20] =	ssyncset.done $0x0  }
0x5e: {  	[sflag:s20] =	ssyncadd.s32 $0xFFFFCE00  }
0x5f: {  	[spmem:s1] =	stream.indirect.scatter.add.f32 [tilespmem:s18], [sflag:$0x3], $0x80, s23, s16, $0xb8;
	[tilespmem:$0x1D880] =	vst v63  }
0x60: {  	_ =	swait.ge [sflag:s14], $0x3200  }
0x61: {  	[sflag:s14] =	ssyncset.done $0x0  }
0x62: {  	s26 =	simm.s32 $0x0;
	[sflag:s14] =	ssyncadd.s32 $0xFFFFCE00  }
0x63: {  	[tilespmem:s26], [sflag:$0x3] =	stream.linear.gather [hbm4b:s8+s26], $0x1900, $0x38;
	[tilespmem:$0x1D880] =	vst v63  }
0x64: {  	_ =	swait.ge [sflag:s14], $0x1900  }
0x65: {  	[sflag:s14] =	ssyncset.done $0x0  }
0x66: {  	[sflag:s14] =	ssyncadd.s32 $0xFFFFE700  }
0x67: {  	[tilespmem:s15], [sflag:$0x3] =	stream.linear.gather [hbm4b:s9+s26], $0x1900, $0x38;
	[tilespmem:$0x1D880] =	vst v63  }
0x68: {  	_ =	swait.ge [sflag:s14], $0x1900  }
0x69: {  	[sflag:s14] =	ssyncset.done $0x0  }
0x6a: {  	[sflag:s14] =	ssyncadd.s32 $0xFFFFE700  }
0x6b: {  	[tilespmem:s17], [sflag:$0x1] =	stream.indirect.gather [hbm4b:s4+s16], $0x80, s26, s16, $0xb8;
	[tilespmem:$0x1D880] =	vst v63  }
0x6c: {  	s28 =	simm.s32 $0x80  }
0x6d: {  	[tilespmem:s18], [sflag:$0x2] =	stream.indirect.gather [hbm4b:s4+s16], $0x80, s28, s16, $0xb8;
	[tilespmem:$0x1D880] =	vst v63  }
0x6e: {  	_ =	swait.ge [sflag:s19], $0x3200  }
0x6f: {  	[sflag:s19] =	ssyncset.done $0x0  }
0x70: {  	s29 =	simm.s32 $0x1C00;
	[sflag:s19] =	ssyncadd.s32 $0xFFFFCE00  }
0x71: {  	[spmem:s1] =	stream.indirect.scatter.add.f32 [tilespmem:s17], [sflag:$0x3], $0x80, s29, s16, $0xb8;
	[tilespmem:$0x1D880] =	vst v63  }
0x72: {  	_ =	swait.ge [sflag:s14], $0x3200  }
0x73: {  	[sflag:s14] =	ssyncset.done $0x0  }
0x74: {  	s30 =	simm.s32 $0x100;
	[sflag:s14] =	ssyncadd.s32 $0xFFFFCE00  }
0x75: {  	[tilespmem:s17], [sflag:$0x1] =	stream.indirect.gather [hbm4b:s4+s16], $0x80, s30, s16, $0xb8;
	[tilespmem:$0x1D880] =	vst v63  }
0x76: {  	_ =	swait.ge [sflag:s20], $0x3200  }
0x77: {  	[sflag:s20] =	ssyncset.done $0x0  }
0x78: {  	s31 =	simm.s32 $0x1C80;
	[sflag:s20] =	ssyncadd.s32 $0xFFFFCE00  }
0x79: {  	[spmem:s1] =	stream.indirect.scatter.add.f32 [tilespmem:s18], [sflag:$0x3], $0x80, s31, s16, $0xb8;
	[tilespmem:$0x1D880] =	vst v63  }
0x7a: {  	_ =	swait.ge [sflag:s14], $0x3200  }
0x7b: {  	s25 =	simm.s32 $0x100;
	s26 =	simm.s32 $0x800;
	[sflag:s14] =	ssyncset.done $0x0  }
.LBB2_4:
0x7c: {  	s28 =	sadd.s32 $0x80, s25  }
0x7d: {  	[sflag:s14] =	ssyncadd.s32 $0xFFFFCE00;
	s29 =	smov.u32 s26;
	s30 =	sadd.s32 $0x400, s26  }
0x7e: {  	[tilespmem:s18], [sflag:$0x2] =	stream.indirect.gather [hbm4b:s4+s16], $0x80, s28, s16, $0xb8;
	[tilespmem:$0x1D880] =	vst v63  }
0x7f: {  	p1 =	sne.s32 s26, $0x5C00;
	_ =	swait.ge [sflag:s19], $0x3200  }
0x80: {  	[sflag:s19] =	ssyncset.done $0x0  }
0x81: {  	s26 =	sadd.s32 $0x1C00, s25;
	[sflag:s19] =	ssyncadd.s32 $0xFFFFCE00  }
0x82: {  	[spmem:s1] =	stream.indirect.scatter.add.f32 [tilespmem:s17], [sflag:$0x3], $0x80, s26, s16, $0xb8;
	[tilespmem:$0x1D880] =	vst v63  }
0x83: {  	_ =	swait.ge [sflag:s14], $0x3200  }
0x84: {  	[sflag:s14] =	ssyncset.done $0x0  }
0x85: {  	s26 =	sadd.s32 $0x100, s25;
	[sflag:s14] =	ssyncadd.s32 $0xFFFFCE00  }
0x86: {  	[tilespmem:s17], [sflag:$0x1] =	stream.indirect.gather [hbm4b:s4+s16], $0x80, s26, s16, $0xb8;
	[tilespmem:$0x1D880] =	vst v63  }
0x87: {  	_ =	swait.ge [sflag:s20], $0x3200  }
.Ltmp1:
0x88: {  	[sflag:s20] =	ssyncset.done $0x0;
	(pc) =	sbr.rel @p1 .LBB2_4-.Ltmp1, $4  }
0x89: {  	s25 =	sadd.s32 $0x1C80, s25;
	[sflag:s20] =	ssyncadd.s32 $0xFFFFCE00  }
0x8a: {  	[spmem:s1] =	stream.indirect.scatter.add.f32 [tilespmem:s18], [sflag:$0x3], $0x80, s25, s16, $0xb8;
	[tilespmem:$0x1D880] =	vst v63  }
0x8b: {  	_ =	swait.ge [sflag:s14], $0x3200  }
0x8c: {  	s26 =	smov.u32 s30;
	s25 =	sshra.s32 s29, $0x2;
	[sflag:s14] =	ssyncset.done $0x0  }
0x8d: {  	s26 =	sadd.s32 $0x80, s25;
	[sflag:s14] =	ssyncadd.s32 $0xFFFFCE00  }
0x8e: {  	[tilespmem:s18], [sflag:$0x2] =	stream.indirect.gather [hbm4b:s4+s16], $0x80, s26, s16, $0xb8;
	[tilespmem:$0x1D880] =	vst v63  }
0x8f: {  	_ =	swait.ge [sflag:s19], $0x3200  }
0x90: {  	[sflag:s19] =	ssyncset.done $0x0  }
0x91: {  	s29 =	sadd.s32 $0x1C00, s25;
	[sflag:s19] =	ssyncadd.s32 $0xFFFFCE00  }
0x92: {  	[spmem:s1] =	stream.indirect.scatter.add.f32 [tilespmem:s17], [sflag:$0x3], $0x80, s29, s16, $0xb8;
	[tilespmem:$0x1D880] =	vst v63  }
0x93: {  	_ =	swait.ge [sflag:s14], $0x3200  }
0x94: {  	[sflag:s14] =	ssyncset.done $0x0  }
0x95: {  	s30 =	sadd.s32 $0x100, s25;
	[sflag:s14] =	ssyncadd.s32 $0xFFFFCE00  }
0x96: {  	[tilespmem:s17], [sflag:$0x1] =	stream.indirect.gather [hbm4b:s4+s16], $0x80, s30, s16, $0xb8;
	[tilespmem:$0x1D880] =	vst v63  }
0x97: {  	_ =	swait.ge [sflag:s20], $0x3200  }
0x98: {  	[sflag:s20] =	ssyncset.done $0x0  }
0x99: {  	s31 =	sadd.s32 $0x1C80, s25;
	[sflag:s20] =	ssyncadd.s32 $0xFFFFCE00  }
0x9a: {  	[spmem:s1] =	stream.indirect.scatter.add.f32 [tilespmem:s18], [sflag:$0x3], $0x80, s31, s16, $0xb8;
	[tilespmem:$0x1D880] =	vst v63  }
0x9b: {  	_ =	swait.ge [sflag:s14], $0x3200  }
0x9c: {  	[sflag:s14] =	ssyncset.done $0x0  }
0x9d: {  	[sflag:s14] =	ssyncadd.s32 $0xFFFFCE00  }
0x9e: {  	[tilespmem:s18], [sflag:$0x2] =	stream.indirect.gather [hbm4b:s4+s16], $0x80, s21, s16, $0xb8;
	[tilespmem:$0x1D880] =	vst v63  }
0x9f: {  	_ =	swait.ge [sflag:s19], $0x3200  }
0xa0: {  	[sflag:s19] =	ssyncset.done $0x0  }
0xa1: {  	[sflag:s19] =	ssyncadd.s32 $0xFFFFCE00  }
0xa2: {  	[spmem:s1] =	stream.indirect.scatter.add.f32 [tilespmem:s17], [sflag:$0x3], $0x80, s22, s16, $0xb8;
	[tilespmem:$0x1D880] =	vst v63  }
0xa3: {  	_ =	swait.ge [sflag:s14], $0x3200  }
0xa4: {  	[sflag:s14] =	ssyncset.done $0x0  }
0xa5: {  	[sflag:s14] =	ssyncadd.s32 $0xFFFFCE00  }
0xa6: {  	_ =	swait.ge [sflag:s20], $0x3200  }
0xa7: {  	[sflag:s20] =	ssyncset.done $0x0  }
0xa8: {  	[sflag:s20] =	ssyncadd.s32 $0xFFFFCE00  }
0xa9: {  	[spmem:s1] =	stream.indirect.scatter.add.f32 [tilespmem:s18], [sflag:$0x3], $0x80, s23, s16, $0xb8;
	[tilespmem:$0x1D880] =	vst v63  }
0xaa: {  	_ =	swait.ge [sflag:s14], $0x3200  }
0xab: {  	s24 =	sadd.s32 $0x1, s24;
	[sflag:s14] =	ssyncset.done $0x0  }
0xac: {  	p1 =	sne.s32 s24, s11;
	[sflag:s14] =	ssyncadd.s32 $0xFFFFCE00  }
.Ltmp2:
0xad: {  	s25 =	simm.s32 @!p0 $0x3;
	[bflag:$0x0] =	sbarrier.arrive $0xFFFF;
	(pc) =	sbr.rel @p1 .LBB2_1-.Ltmp2, $4  }
0xae: {  	[hbm:s10], [sflag:s12] =	dma.local @!p0 [spmem:s13], $0x3E80  }
0xaf: {  	_ =	swait.ge @!p0 [sflag:s25], $0x3E80  }
0xb0: {  	[sflag:s25] =	ssyncset.done @!p0 $0x0  }
0xb1: {  	[sflag:s25] =	ssyncadd.s32 @!p0 $0xFFFFC180  }
0xb2: {  	_ =	sfence.sel $0x180000  }
0xb3: {  	[bflag:$0x0] =	sbarrier.arrive $0xFFFF  }
0xb4: {  	p0 =	sne.s32 s3, $0x0;
	_ =	strace $0x9000004A  }
0xb5: {  	s0 =	sadd.s32 @!p0 $0x100000, s0;
	[bflag:$0x2] =	sbarrier.arrive $0xFFFF  }
0xb6: {  	[sflag:s0] =	ssyncadd.tile.s32 @!p0 $0x1;
	_ =	shalt  }
.Lfunc_end2:
_tile_overlayer_lowered:
.L_overlay_start_2:
0xb7: {  	(tag) =	ssettag $0x2  }
0xb8: {  	s0 =	rddreg [dreg:$0x0];
	s2 =	stileid.u32  }
0xb9: {  	s1 =	rddreg [dreg:$0x1];
	p0 =	sne.s32 s2, $0x0  }
0xba: {  	s3 =	rddreg [dreg:$0x2];
	[bflag:$0x3] =	sbarrier.arrive $0xFFFF;
	s2 =	simm.s32 @!p0 $0x1C03  }
0xbb: {  	[timem:s3], [sflag:s2] =	dma.local @!p0 [hbm:s0], s1  }
0xbc: {  	s0 =	simm.s32 @!p0 $0x3  }
0xbd: {  	_ =	swait.ge @!p0 [sflag:s0], s1  }
0xbe: {  	s1 =	ssub.s32 @!p0 $0x0, s1;
	[sflag:s0] =	ssyncset.done @!p0 $0x0  }
0xbf: {  	[sflag:s0] =	ssyncadd.s32 @!p0 s1  }
0xc0: {  	[bflag:$0x3] =	sbarrier.arrive $0xFFFF  }
0xc1: {  	_ =	shalt  }

// kernel: kernel.16.cloned.1.call-start
scs
__scs_entry_jumppad:
0x0: {  	(pc) =	sbr.rel $0x88, $3  }
0x1: {  	(tag) =	ssettag $0x0;
	lr =	simm.s32 $0x1  }
0x2: {  	[smem:$0x3F96] =	sst lr;
	_ =	strace $0xD0000000  }
0x3: {  	_ = 	snop  }
0x4: {  	_ = 	snop  }
0x5: {  	_ = 	snop  }
0x6: {  	_ = 	snop  }
0x7: {  	_ = 	snop  }
__scs_overlays_trampoline_lowered:
0x8: {  	[smem:$0x3FA5] =	sst s0  }
0x9: {  	[smem:$0x3FA6] =	sst s1  }
0xa: {  	[smem:$0x3FA7] =	sst s2  }
0xb: {  	[smem:$0x3FA8] =	sst s3  }
0xc: {  	[smem:$0x3FA9] =	sst s4  }
0xd: {  	[smem:$0x3FAA] =	sst s5  }
0xe: {  	[smem:$0x3FAB] =	sst s6  }
0xf: {  	[smem:$0x3FAC] =	sst s7  }
0x10: {  	[smem:$0x3FAD] =	sst s8  }
0x11: {  	[smem:$0x3FAE] =	sst s9;
	s0 =	simm.s32 @!p0 $0x0  }
0x12: {  	s1 =	sld [smem:$0x3F94];
	s0 =	simm.s32 @p0 $0x1  }
0x13: {  	[smem:$0x3FAF] =	sst s0;
	s0 =	simm.s32 @!p1 $0x0  }
0x14: {  	s2 =	sld [smem:$0x3F93];
	s0 =	simm.s32 @p1 $0x1  }
0x15: {  	[smem:$0x3FB0] =	sst s0;
	s0 =	simm.s32 @!p2 $0x0  }
0x16: {  	s3 =	sld [smem:$0x3FDB];
	s0 =	simm.s32 @p2 $0x1  }
0x17: {  	s4 =	simm.s32 $0x1BF5;
	[smem:$0x3FB2] =	sst s0  }
0x18: {  	s0 =	sld [smem:$0x3F95];
	_ =	swait.ge [sflag:s4], $0x0  }
0x19: {  	s7 =	sld [smem:$0x3F96]  }
0x1a: {  	s8 =	sadd.s32 $0xFFFFE003, lr  }
0x1b: {  	s9 =	sadd.s32 $0xFFFFFEF7, lr;
	s5 =	simm.s32 $0xFFFFFFFF;
	p2 =	slt.u32 s8, $0xFFFFF086  }
0x1c: {  	p1 =	slt.u32 s9, $0xF7A;
	s5 =	simm.s32 @!p2 $0x0  }
0x1d: {  	s5 =	simm.s32 @p1 $0x1;
	p0 =	seq.s32 s7, s2  }
0x1e: {  	s7 =	smul.u32 @!p0 $0xF7A, s2;
	p2 =	seq.s32 @!p0 s5, $0x0  }
0x1f: {  	s9 =	smul.u32 $0xF7A, s1;
	s8 =	simm.s32 @!p0 $0x1BF5;
	p2 =	por !p2, p0  }
0x20: {  	[sflag:s8] =	ssyncset.s32 @!p0 $0xFFFFF086;
	s6 =	sadd.s32 @!p0 s3, s7;
	s7 =	simm.s32 @!p0 $0x108  }
0x21: {  	s3 =	sadd.s32 s3, s9;
	s6 =	sadd.s32 @!p0 $0x88, s6;
	s7 =	simm.s32 @p2 $0x1082  }
0x22: {  	[simem:s7], [sflag:s8] =	dma.local @!p0 [hbm:s6], $0xF7A  }
0x23: {  	s9 =	sor.u32 $0xD0000000, s2;
	s6 =	simm.s32 $0x108;
	_ =	swait.ge @!p0 [sflag:s8], $0x0  }
0x24: {  	s3 =	sadd.s32 $0x88, s3;
	s6 =	simm.s32 @!p1 $0x1082;
	[sflag:s4] =	ssyncset.s32 $0xFFFFF086  }
0x25: {  	[simem:s6], [sflag:s4] =	dma.local [hbm:s3], $0xF7A  }
0x26: {  	[smem:$0x3F96] =	sst s1;
	(tag) =	ssettag s2;
	_ =	strace s9  }
0x27: {  	s1 =	sld [smem:$0x3FA6]  }
0x28: {  	s2 =	sld [smem:$0x3FA7]  }
0x29: {  	s4 =	sld [smem:$0x3FA9]  }
0x2a: {  	p0 =	seq.s32 s5, $0x0;
	s5 =	sld [smem:$0x3FAA]  }
0x2b: {  	s6 =	sld [smem:$0x3FAB]  }
0x2c: {  	s7 =	sld [smem:$0x3FAC]  }
0x2d: {  	s3 =	simm.s32 $0x108;
	s8 =	sld [smem:$0x3FAD]  }
0x2e: {  	s3 =	simm.s32 @!p0 $0x1082;
	s9 =	sld [smem:$0x3FAE]  }
0x2f: {  	lr =	sadd.s32 s0, s3;
	s0 =	sld [smem:$0x3FA5]  }
0x30: {  	s3 =	sld [smem:$0x3FA8]  }
0x31: {  	[smem:$0x3FB1] =	sst s10  }
0x32: {  	s10 =	sld [smem:$0x3FAF];
	_ =	sdelay $0x3  }
0x33: {  	p0 =	seq.s32 s10, $0x1;
	s10 =	sld [smem:$0x3FB1];
	_ =	sdelay $0x3  }
0x34: {  	[smem:$0x3FB1] =	sst s10  }
0x35: {  	s10 =	sld [smem:$0x3FB0];
	_ =	sdelay $0x3  }
0x36: {  	p1 =	seq.s32 s10, $0x1;
	s10 =	sld [smem:$0x3FB1];
	_ =	sdelay $0x3  }
0x37: {  	[smem:$0x3FB1] =	sst s10  }
0x38: {  	s10 =	sld [smem:$0x3FB2]  }
0x39: {  	_ = 	snop;
	(pc) =	sbr.ind lr, $3  }
0x3a: {  	_ = 	snop  }
0x3b: {  	_ = 	snop  }
0x3c: {  	p2 =	seq.s32 s10, $0x1;
	s10 =	sld [smem:$0x3FB1]  }
0x3d: {  	_ =	shalt  }
0x3e: {  	_ =	shalt  }
0x3f: {  	_ =	shalt  }
0x40: {  	_ =	shalt  }
0x41: {  	_ =	shalt  }
0x42: {  	_ =	shalt  }
0x43: {  	_ =	shalt  }
0x44: {  	_ =	shalt  }
0x45: {  	_ =	shalt  }
0x46: {  	_ =	shalt  }
0x47: {  	_ =	shalt  }
0x48: {  	_ =	shalt  }
0x49: {  	_ =	shalt  }
0x4a: {  	_ =	shalt  }
0x4b: {  	_ =	shalt  }
0x4c: {  	_ =	shalt  }
0x4d: {  	_ =	shalt  }
0x4e: {  	_ =	shalt  }
0x4f: {  	_ =	shalt  }
0x50: {  	_ =	shalt  }
0x51: {  	_ =	shalt  }
0x52: {  	_ =	shalt  }
0x53: {  	_ =	shalt  }
0x54: {  	_ =	shalt  }
0x55: {  	_ =	shalt  }
0x56: {  	_ =	shalt  }
0x57: {  	_ =	shalt  }
0x58: {  	_ =	shalt  }
0x59: {  	_ =	shalt  }
0x5a: {  	_ =	shalt  }
0x5b: {  	_ =	shalt  }
0x5c: {  	_ =	shalt  }
0x5d: {  	_ =	shalt  }
0x5e: {  	_ =	shalt  }
0x5f: {  	_ =	shalt  }
0x60: {  	_ =	shalt  }
0x61: {  	_ =	shalt  }
0x62: {  	_ =	shalt  }
0x63: {  	_ =	shalt  }
0x64: {  	_ =	shalt  }
0x65: {  	_ =	shalt  }
0x66: {  	_ =	shalt  }
0x67: {  	_ =	shalt  }
0x68: {  	_ =	shalt  }
0x69: {  	_ =	shalt  }
0x6a: {  	_ =	shalt  }
0x6b: {  	_ =	shalt  }
0x6c: {  	_ =	shalt  }
0x6d: {  	_ =	shalt  }
0x6e: {  	_ =	shalt  }
0x6f: {  	_ =	shalt  }
0x70: {  	_ =	shalt  }
0x71: {  	_ =	shalt  }
0x72: {  	_ =	shalt  }
0x73: {  	_ =	shalt  }
0x74: {  	_ =	shalt  }
0x75: {  	_ =	shalt  }
0x76: {  	_ =	shalt  }
0x77: {  	_ =	shalt  }
0x78: {  	_ =	shalt  }
0x79: {  	_ =	shalt  }
0x7a: {  	_ =	shalt  }
0x7b: {  	_ =	shalt  }
0x7c: {  	_ =	shalt  }
0x7d: {  	_ =	shalt  }
0x7e: {  	_ =	shalt  }
0x7f: {  	_ =	shalt  }
0x80: {  	_ =	shalt  }
0x81: {  	_ =	shalt  }
0x82: {  	_ =	shalt  }
0x83: {  	_ =	shalt  }
0x84: {  	_ =	shalt  }
0x85: {  	_ =	shalt  }
0x86: {  	_ =	shalt  }
0x87: {  	_ =	shalt  }
.Lfunc_end0:
.L_simem_size_0:
called_computation.2_lowered:
.L_overlay_start_0:
0x88: {  	s2 =	sld [smem:$0x3FD9]  }
0x89: {  	s3 =	sld [smem:$0x3FFE];
	_ =	sdelay $0x1  }
0x8a: {  	s1 =	srdreg.scid  }
0x8b: {  	s0 =	sand.u32 $0x1, s1  }
0x8c: {  	s16 =	sshll.u32 s0, $0xA;
	s2 =	sadd.s32 s3, s2  }
0x8d: {  	s2 =	sadd.s32 s2, s16  }
0x8e: {  	[smem:$0x3FBD] =	sst s2  }
0x8f: {  	_ = 	snop  }
0x90: {  	(tm) =	ssettm $0x1  }
0x91: {  	s17 =	sld [smem:$0x3FFB];
	_ =	sdelay $0x3  }
0x92: {  	_ =	strace s17  }
0x93: {  	s2 =	sld [smem:$0x3FFC];
	_ =	sdelay $0x3  }
0x94: {  	_ =	strace s2  }
0x95: {  	s2 =	sld [smem:$0x3FFD];
	_ =	sdelay $0x3  }
0x96: {  	_ =	strace s2  }
0x97: {  	_ =	strace $0x8FFFFFFF  }
0x98: {  	s18 =	sld [smem:$0x3FDB];
	_ =	sdelay $0x1  }
0x99: {  	s19 =	simm.s32 $_scs_section_size  }
0x9a: {  	s4 =	simm.s32 $_size__tile_overlayer_lowered;
	s5 =	simm.s32 $_tile_overlayer_lowered  }
0x9b: {  	s22 =	simm.s32 $0x1BFF;
	s21 =	sshll.u32 s5, $0x1;
	s2 =	sadd.s32 s19, s18  }
0x9c: {  	s6 =	simm.s32 $0x0;
	s20 =	sshll.u32 s4, $0x1;
	s4 =	sadd.s32 s21, s2  }
0x9d: {  	[timem:s6], [sflag:s22] =	dma.local [hbm:s4], s20  }
0x9e: {  	_ =	swait.ge [sflag:s22], s20  }
0x9f: {  	s3 =	ssub.s32 $0x0, s20;
	[sflag:s22] =	ssyncset.done $0x0  }
0xa0: {  	[sflag:s22] =	ssyncadd.s32 s3;
	_ =	sdelay $0x1  }
0xa1: {  	s23 =	simm.s32 $0x1B8B  }
0xa2: {  	_ =	swait.ge [sflag:s23], $0x1  }
0xa3: {  	[sflag:s23] =	ssyncset.done $0x0  }
0xa4: {  	s25 =	simm.s32 $0x1B8E;
	s24 =	sld [smem:$0x3FFE];
	[sflag:s23] =	ssyncadd.s32 $0xFFFFFFFF  }
0xa5: {  	s26 =	simm.s32 $execute0_lowered;
	[smem:$0x3FD2] =	sst s25  }
0xa6: {  	s4 =	sshll.u32 s26, $0x1;
	_ =	strace $0x8000004C;
	[dreg:$0x1] =	wrdreg $0xFFFFFFFF  }
0xa7: {  	s28 =	simm.s32 $_size_execute0_lowered;
	s2 =	sadd.s32 s2, s4;
	[dreg:$0x0] =	wrdreg $0x0  }
0xa8: {  	s4 =	sshll.u32 s28, $0x1;
	[dreg:$0x2] =	wrdreg s2  }
0xa9: {  	[dreg:$0x3] =	wrdreg s4  }
0xaa: {  	[dreg:$0x4] =	wrdreg $0xC0  }
0xab: {  	_ =	task [dreg:s6], $0x5FFFF  }
0xac: {  	[dreg:$0x1] =	wrdreg $0xFFFFFFFF  }
0xad: {  	[dreg:$0x0] =	wrdreg $0x60  }
0xae: {  	[dreg:$0x2] =	wrdreg s24  }
0xaf: {  	[dreg:$0x3] =	wrdreg $0xA0000  }
0xb0: {  	[dreg:$0x4] =	wrdreg $0x9  }
0xb1: {  	_ =	task.clear_ibuf [dreg:s6], $0x5FFFF;
	_ =	strace $0x9000004C  }
0xb2: {  	s29 =	simm.s32 $0x9;
	_ =	strace $0x8000004E  }
0xb3: {  	_ =	swait.ge [sflag:s29], $0x1  }
0xb4: {  	[sflag:s29] =	ssyncadd.s32 $0xFFFFFFFF  }
0xb5: {  	_ =	strace $0x9000004E  }
0xb6: {  	_ =	sfence  }
0xb7: {  	s30 =	sld [smem:$0x0];
	_ =	sdelay $0x2  }
0xb8: {  	s31 =	sshll.u32 s1, $0xD;
	s1 =	sshrl.u32 s1, $0x2  }
0xb9: {  	s3 =	sand.u32 $0x4000, s31;
	s1 =	sadd.s32 s1, s30  }
0xba: {  	s0 =	sor.u32 s3, s0;
	s1 =	sshll.u32 s1, $0x11  }
0xbb: {  	s0 =	sor.u32 s1, s0  }
0xbc: {  	s0 =	sadd.s32 $0x8F2B, s0  }
0xbd: {  	[sflag:s0] =	ssyncadd.remote.s32 $0x1  }
0xbe: {  	_ =	sfence.sel $0xFFFF  }
0xbf: {  	[dreg:$0x0] =	wrdreg $0xFFFFFFFF;
	(pc) =	sbr.abs _section_cstart, $3  }
0xc0: {  	[dreg:$0x1] =	wrdreg $0xFFFFFFFF  }
0xc1: {  	_ =	task.clear_ibuf [dreg:s6], $0x2FFFF;
	_ =	strace $0x9FFFFFFF  }
0xc2: {  	(tm) =	ssettm $0x7FFFFFFF  }
0xc3: {  	_ =	shalt  }
tec
execute0_lowered:
.L_overlay_start_1:
0x0: {  	(tag) =	ssettag $0x1  }
0x1: {  	s6 =	rddreg [dreg:$0x0]  }
0x2: {  	s1 =	rddreg [dreg:$0x1]  }
0x3: {  	s0 =	rddreg [dreg:$0x2];
	s2 =	simm.s32 $0x0  }
0x4: {  	s3 =	srdreg.scid;
	s15 =	simm.s32 $0x1C00;
	s16 =	simm.s32 $0x64  }
0x5: {  	s17 =	simm.s32 $0x3800;
	s18 =	simm.s32 $0x6C00;
	s19 =	simm.s32 $0x1  }
0x6: {  	s20 =	simm.s32 $0x2;
	s21 =	simm.s32 $0x1880;
	s22 =	simm.s32 $0x3400  }
0x7: {  	s23 =	simm.s32 $0x3480;
	s24 =	simm.s32 $0x0;
	[smem:$0x7FF] =	sst s2  }
0x8: {  	s7 =	sand.u32 $0x1, s3;
	s3 =	stileid.u32;
	s4 =	sadd.s32 $0x71800, s6  }
0x9: {  	s10 =	sadd.s32 $0x63800, s6;
	s12 =	sadd.s32 $0x2E00, s6;
	s5 =	smul.u32 $0x27100, s7  }
0xa: {  	_ =	strace $0x8000004D;
	s8 =	smul.u32 $0x3E80, s3;
	s9 =	sshll.u32 s7, $0x4  }
0xb: {  	s11 =	smul.u32 $0x7D000, s3;
	s29 =	ssub.s32 $0x2, s7;
	s9 =	sor.u32 s3, s9  }
0xc: {  	p0 =	sgt.u32 s3, $0x9;
	s7 =	sshrl.u32 s29, $0x1;
	s9 =	smul.u32 $0x3800, s9  }
0xd: {  	s8 =	sadd.s32 s8, s5;
	s5 =	sadd.s32 $0x10E00, s6;
	s30 =	sshrl.u32 s11, $0x2  }
0xe: {  	s31 =	ssub.s32 s29, s7;
	s13 =	sadd.s32 s8, s6;
	s9 =	sshrl.u32 s9, $0x3  }
0xf: {  	s6 =	sadd.s32 s10, s9;
	s7 =	sadd.s32 s12, s9;
	s9 =	sadd.s32 $0x380, s9  }
0x10: {  	s14 =	sadd.s32 s30, s1;
	s11 =	smax.u32 s31, $0x1;
	s8 =	sadd.s32 s10, s9  }
0x11: {  	s9 =	sadd.s32 s12, s9;
	s12 =	sshll.u32 @!p0 s3, $0x6;
	s10 =	sadd.s32 $0x98A00, s13  }
0x12: {  	s13 =	sshrl.u32 @!p0 s14, $0x3;
	s14 =	simm.s32 $0x3;
	s12 =	sor.u32 @!p0 $0x1C03, s12  }
.LBB2_1:
0x13: {  	[spmem:s13], [sflag:s12] =	dma.local @!p0 [hbm:s5], $0x3E80  }
0x14: {  	s25 =	simm.s32 @!p0 $0x3  }
0x15: {  	_ =	swait.ge @!p0 [sflag:s25], $0x3E80  }
0x16: {  	[sflag:s25] =	ssyncset.done @!p0 $0x0  }
0x17: {  	[sflag:s25] =	ssyncadd.s32 @!p0 $0xFFFFC180  }
0x18: {  	[bflag:$0x0] =	sbarrier.arrive $0xFFFF  }
0x19: {  	[tilespmem:s2], [sflag:$0x3] =	stream.linear.gather [hbm4b:s6+s2], $0x1900, $0x38;
	[tilespmem:$0x1D880] =	vst v63  }
0x1a: {  	_ =	swait.ge [sflag:s14], $0x1900  }
0x1b: {  	[sflag:s14] =	ssyncset.done $0x0  }
0x1c: {  	[sflag:s14] =	ssyncadd.s32 $0xFFFFE700  }
0x1d: {  	[tilespmem:s15], [sflag:$0x3] =	stream.linear.gather [hbm4b:s7+s2], $0x1900, $0x38;
	[tilespmem:$0x1D880] =	vst v63  }
0x1e: {  	_ =	swait.ge [sflag:s14], $0x1900  }
0x1f: {  	[sflag:s14] =	ssyncset.done $0x0  }
0x20: {  	[sflag:s14] =	ssyncadd.s32 $0xFFFFE700  }
0x21: {  	[tilespmem:s17], [sflag:$0x1] =	stream.indirect.gather [hbm4b:s4+s16], $0x80, s2, s16, $0xb8;
	[tilespmem:$0x1D880] =	vst v63  }
0x22: {  	s28 =	simm.s32 $0x80  }
0x23: {  	[tilespmem:s18], [sflag:$0x2] =	stream.indirect.gather [hbm4b:s4+s16], $0x80, s28, s16, $0xb8;
	[tilespmem:$0x1D880] =	vst v63  }
0x24: {  	_ =	swait.ge [sflag:s19], $0x3200  }
0x25: {  	[sflag:s19] =	ssyncset.done $0x0  }
0x26: {  	s29 =	simm.s32 $0x1C00;
	[sflag:s19] =	ssyncadd.s32 $0xFFFFCE00  }
0x27: {  	[spmem:s1] =	stream.indirect.scatter.add.f32 [tilespmem:s17], [sflag:$0x3], $0x80, s29, s16, $0xb8;
	[tilespmem:$0x1D880] =	vst v63  }
0x28: {  	_ =	swait.ge [sflag:s14], $0x3200  }
0x29: {  	[sflag:s14] =	ssyncset.done $0x0  }
0x2a: {  	s30 =	simm.s32 $0x100;
	[sflag:s14] =	ssyncadd.s32 $0xFFFFCE00  }
0x2b: {  	[tilespmem:s17], [sflag:$0x1] =	stream.indirect.gather [hbm4b:s4+s16], $0x80, s30, s16, $0xb8;
	[tilespmem:$0x1D880] =	vst v63  }
0x2c: {  	_ =	swait.ge [sflag:s20], $0x3200  }
0x2d: {  	[sflag:s20] =	ssyncset.done $0x0  }
0x2e: {  	s31 =	simm.s32 $0x1C80;
	[sflag:s20] =	ssyncadd.s32 $0xFFFFCE00  }
0x2f: {  	[spmem:s1] =	stream.indirect.scatter.add.f32 [tilespmem:s18], [sflag:$0x3], $0x80, s31, s16, $0xb8;
	[tilespmem:$0x1D880] =	vst v63  }
0x30: {  	_ =	swait.ge [sflag:s14], $0x3200  }
0x31: {  	s26 =	simm.s32 $0x800;
	s25 =	simm.s32 $0x100;
	[sflag:s14] =	ssyncset.done $0x0  }
.LBB2_2:
0x32: {  	s28 =	sadd.s32 $0x80, s25  }
0x33: {  	[sflag:s14] =	ssyncadd.s32 $0xFFFFCE00;
	s29 =	smov.u32 s26;
	s30 =	sadd.s32 $0x400, s26  }
0x34: {  	[tilespmem:s18], [sflag:$0x2] =	stream.indirect.gather [hbm4b:s4+s16], $0x80, s28, s16, $0xb8;
	[tilespmem:$0x1D880] =	vst v63  }
0x35: {  	p1 =	sne.s32 s26, $0x5C00;
	_ =	swait.ge [sflag:s19], $0x3200  }
0x36: {  	[sflag:s19] =	ssyncset.done $0x0  }
0x37: {  	s26 =	sadd.s32 $0x1C00, s25;
	[sflag:s19] =	ssyncadd.s32 $0xFFFFCE00  }
0x38: {  	[spmem:s1] =	stream.indirect.scatter.add.f32 [tilespmem:s17], [sflag:$0x3], $0x80, s26, s16, $0xb8;
	[tilespmem:$0x1D880] =	vst v63  }
0x39: {  	_ =	swait.ge [sflag:s14], $0x3200  }
0x3a: {  	[sflag:s14] =	ssyncset.done $0x0  }
0x3b: {  	s26 =	sadd.s32 $0x100, s25;
	[sflag:s14] =	ssyncadd.s32 $0xFFFFCE00  }
0x3c: {  	[tilespmem:s17], [sflag:$0x1] =	stream.indirect.gather [hbm4b:s4+s16], $0x80, s26, s16, $0xb8;
	[tilespmem:$0x1D880] =	vst v63  }
0x3d: {  	_ =	swait.ge [sflag:s20], $0x3200  }
.Ltmp0:
0x3e: {  	[sflag:s20] =	ssyncset.done $0x0;
	(pc) =	sbr.rel @p1 .LBB2_2-.Ltmp0, $4  }
0x3f: {  	s25 =	sadd.s32 $0x1C80, s25;
	[sflag:s20] =	ssyncadd.s32 $0xFFFFCE00  }
0x40: {  	[spmem:s1] =	stream.indirect.scatter.add.f32 [tilespmem:s18], [sflag:$0x3], $0x80, s25, s16, $0xb8;
	[tilespmem:$0x1D880] =	vst v63  }
0x41: {  	_ =	swait.ge [sflag:s14], $0x3200  }
0x42: {  	s26 =	smov.u32 s30;
	s25 =	sshra.s32 s29, $0x2;
	[sflag:s14] =	ssyncset.done $0x0  }
0x43: {  	s26 =	sadd.s32 $0x80, s25;
	[sflag:s14] =	ssyncadd.s32 $0xFFFFCE00  }
0x44: {  	[tilespmem:s18], [sflag:$0x2] =	stream.indirect.gather [hbm4b:s4+s16], $0x80, s26, s16, $0xb8;
	[tilespmem:$0x1D880] =	vst v63  }
0x45: {  	_ =	swait.ge [sflag:s19], $0x3200  }
0x46: {  	[sflag:s19] =	ssyncset.done $0x0  }
0x47: {  	s29 =	sadd.s32 $0x1C00, s25;
	[sflag:s19] =	ssyncadd.s32 $0xFFFFCE00  }
0x48: {  	[spmem:s1] =	stream.indirect.scatter.add.f32 [tilespmem:s17], [sflag:$0x3], $0x80, s29, s16, $0xb8;
	[tilespmem:$0x1D880] =	vst v63  }
0x49: {  	_ =	swait.ge [sflag:s14], $0x3200  }
0x4a: {  	[sflag:s14] =	ssyncset.done $0x0  }
0x4b: {  	s30 =	sadd.s32 $0x100, s25;
	[sflag:s14] =	ssyncadd.s32 $0xFFFFCE00  }
0x4c: {  	[tilespmem:s17], [sflag:$0x1] =	stream.indirect.gather [hbm4b:s4+s16], $0x80, s30, s16, $0xb8;
	[tilespmem:$0x1D880] =	vst v63  }
0x4d: {  	_ =	swait.ge [sflag:s20], $0x3200  }
0x4e: {  	[sflag:s20] =	ssyncset.done $0x0  }
0x4f: {  	s31 =	sadd.s32 $0x1C80, s25;
	[sflag:s20] =	ssyncadd.s32 $0xFFFFCE00  }
0x50: {  	[spmem:s1] =	stream.indirect.scatter.add.f32 [tilespmem:s18], [sflag:$0x3], $0x80, s31, s16, $0xb8;
	[tilespmem:$0x1D880] =	vst v63  }
0x51: {  	_ =	swait.ge [sflag:s14], $0x3200  }
0x52: {  	[sflag:s14] =	ssyncset.done $0x0  }
0x53: {  	[sflag:s14] =	ssyncadd.s32 $0xFFFFCE00  }
0x54: {  	[tilespmem:s18], [sflag:$0x2] =	stream.indirect.gather [hbm4b:s4+s16], $0x80, s21, s16, $0xb8;
	[tilespmem:$0x1D880] =	vst v63  }
0x55: {  	_ =	swait.ge [sflag:s19], $0x3200  }
0x56: {  	[sflag:s19] =	ssyncset.done $0x0  }
0x57: {  	[sflag:s19] =	ssyncadd.s32 $0xFFFFCE00  }
0x58: {  	[spmem:s1] =	stream.indirect.scatter.add.f32 [tilespmem:s17], [sflag:$0x3], $0x80, s22, s16, $0xb8;
	[tilespmem:$0x1D880] =	vst v63  }
0x59: {  	_ =	swait.ge [sflag:s14], $0x3200  }
0x5a: {  	[sflag:s14] =	ssyncset.done $0x0  }
0x5b: {  	[sflag:s14] =	ssyncadd.s32 $0xFFFFCE00  }
0x5c: {  	_ =	swait.ge [sflag:s20], $0x3200  }
0x5d: {  	[sflag:s20] =	ssyncset.done $0x0  }
0x5e: {  	[sflag:s20] =	ssyncadd.s32 $0xFFFFCE00  }
0x5f: {  	[spmem:s1] =	stream.indirect.scatter.add.f32 [tilespmem:s18], [sflag:$0x3], $0x80, s23, s16, $0xb8;
	[tilespmem:$0x1D880] =	vst v63  }
0x60: {  	_ =	swait.ge [sflag:s14], $0x3200  }
0x61: {  	[sflag:s14] =	ssyncset.done $0x0  }
0x62: {  	s26 =	simm.s32 $0x0;
	[sflag:s14] =	ssyncadd.s32 $0xFFFFCE00  }
0x63: {  	[tilespmem:s26], [sflag:$0x3] =	stream.linear.gather [hbm4b:s8+s26], $0x1900, $0x38;
	[tilespmem:$0x1D880] =	vst v63  }
0x64: {  	_ =	swait.ge [sflag:s14], $0x1900  }
0x65: {  	[sflag:s14] =	ssyncset.done $0x0  }
0x66: {  	[sflag:s14] =	ssyncadd.s32 $0xFFFFE700  }
0x67: {  	[tilespmem:s15], [sflag:$0x3] =	stream.linear.gather [hbm4b:s9+s26], $0x1900, $0x38;
	[tilespmem:$0x1D880] =	vst v63  }
0x68: {  	_ =	swait.ge [sflag:s14], $0x1900  }
0x69: {  	[sflag:s14] =	ssyncset.done $0x0  }
0x6a: {  	[sflag:s14] =	ssyncadd.s32 $0xFFFFE700  }
0x6b: {  	[tilespmem:s17], [sflag:$0x1] =	stream.indirect.gather [hbm4b:s4+s16], $0x80, s26, s16, $0xb8;
	[tilespmem:$0x1D880] =	vst v63  }
0x6c: {  	s28 =	simm.s32 $0x80  }
0x6d: {  	[tilespmem:s18], [sflag:$0x2] =	stream.indirect.gather [hbm4b:s4+s16], $0x80, s28, s16, $0xb8;
	[tilespmem:$0x1D880] =	vst v63  }
0x6e: {  	_ =	swait.ge [sflag:s19], $0x3200  }
0x6f: {  	[sflag:s19] =	ssyncset.done $0x0  }
0x70: {  	s29 =	simm.s32 $0x1C00;
	[sflag:s19] =	ssyncadd.s32 $0xFFFFCE00  }
0x71: {  	[spmem:s1] =	stream.indirect.scatter.add.f32 [tilespmem:s17], [sflag:$0x3], $0x80, s29, s16, $0xb8;
	[tilespmem:$0x1D880] =	vst v63  }
0x72: {  	_ =	swait.ge [sflag:s14], $0x3200  }
0x73: {  	[sflag:s14] =	ssyncset.done $0x0  }
0x74: {  	s30 =	simm.s32 $0x100;
	[sflag:s14] =	ssyncadd.s32 $0xFFFFCE00  }
0x75: {  	[tilespmem:s17], [sflag:$0x1] =	stream.indirect.gather [hbm4b:s4+s16], $0x80, s30, s16, $0xb8;
	[tilespmem:$0x1D880] =	vst v63  }
0x76: {  	_ =	swait.ge [sflag:s20], $0x3200  }
0x77: {  	[sflag:s20] =	ssyncset.done $0x0  }
0x78: {  	s31 =	simm.s32 $0x1C80;
	[sflag:s20] =	ssyncadd.s32 $0xFFFFCE00  }
0x79: {  	[spmem:s1] =	stream.indirect.scatter.add.f32 [tilespmem:s18], [sflag:$0x3], $0x80, s31, s16, $0xb8;
	[tilespmem:$0x1D880] =	vst v63  }
0x7a: {  	_ =	swait.ge [sflag:s14], $0x3200  }
0x7b: {  	s25 =	simm.s32 $0x100;
	s26 =	simm.s32 $0x800;
	[sflag:s14] =	ssyncset.done $0x0  }
.LBB2_4:
0x7c: {  	s28 =	sadd.s32 $0x80, s25  }
0x7d: {  	[sflag:s14] =	ssyncadd.s32 $0xFFFFCE00;
	s29 =	smov.u32 s26;
	s30 =	sadd.s32 $0x400, s26  }
0x7e: {  	[tilespmem:s18], [sflag:$0x2] =	stream.indirect.gather [hbm4b:s4+s16], $0x80, s28, s16, $0xb8;
	[tilespmem:$0x1D880] =	vst v63  }
0x7f: {  	p1 =	sne.s32 s26, $0x5C00;
	_ =	swait.ge [sflag:s19], $0x3200  }
0x80: {  	[sflag:s19] =	ssyncset.done $0x0  }
0x81: {  	s26 =	sadd.s32 $0x1C00, s25;
	[sflag:s19] =	ssyncadd.s32 $0xFFFFCE00  }
0x82: {  	[spmem:s1] =	stream.indirect.scatter.add.f32 [tilespmem:s17], [sflag:$0x3], $0x80, s26, s16, $0xb8;
	[tilespmem:$0x1D880] =	vst v63  }
0x83: {  	_ =	swait.ge [sflag:s14], $0x3200  }
0x84: {  	[sflag:s14] =	ssyncset.done $0x0  }
0x85: {  	s26 =	sadd.s32 $0x100, s25;
	[sflag:s14] =	ssyncadd.s32 $0xFFFFCE00  }
0x86: {  	[tilespmem:s17], [sflag:$0x1] =	stream.indirect.gather [hbm4b:s4+s16], $0x80, s26, s16, $0xb8;
	[tilespmem:$0x1D880] =	vst v63  }
0x87: {  	_ =	swait.ge [sflag:s20], $0x3200  }
.Ltmp1:
0x88: {  	[sflag:s20] =	ssyncset.done $0x0;
	(pc) =	sbr.rel @p1 .LBB2_4-.Ltmp1, $4  }
0x89: {  	s25 =	sadd.s32 $0x1C80, s25;
	[sflag:s20] =	ssyncadd.s32 $0xFFFFCE00  }
0x8a: {  	[spmem:s1] =	stream.indirect.scatter.add.f32 [tilespmem:s18], [sflag:$0x3], $0x80, s25, s16, $0xb8;
	[tilespmem:$0x1D880] =	vst v63  }
0x8b: {  	_ =	swait.ge [sflag:s14], $0x3200  }
0x8c: {  	s26 =	smov.u32 s30;
	s25 =	sshra.s32 s29, $0x2;
	[sflag:s14] =	ssyncset.done $0x0  }
0x8d: {  	s26 =	sadd.s32 $0x80, s25;
	[sflag:s14] =	ssyncadd.s32 $0xFFFFCE00  }
0x8e: {  	[tilespmem:s18], [sflag:$0x2] =	stream.indirect.gather [hbm4b:s4+s16], $0x80, s26, s16, $0xb8;
	[tilespmem:$0x1D880] =	vst v63  }
0x8f: {  	_ =	swait.ge [sflag:s19], $0x3200  }
0x90: {  	[sflag:s19] =	ssyncset.done $0x0  }
0x91: {  	s29 =	sadd.s32 $0x1C00, s25;
	[sflag:s19] =	ssyncadd.s32 $0xFFFFCE00  }
0x92: {  	[spmem:s1] =	stream.indirect.scatter.add.f32 [tilespmem:s17], [sflag:$0x3], $0x80, s29, s16, $0xb8;
	[tilespmem:$0x1D880] =	vst v63  }
0x93: {  	_ =	swait.ge [sflag:s14], $0x3200  }
0x94: {  	[sflag:s14] =	ssyncset.done $0x0  }
0x95: {  	s30 =	sadd.s32 $0x100, s25;
	[sflag:s14] =	ssyncadd.s32 $0xFFFFCE00  }
0x96: {  	[tilespmem:s17], [sflag:$0x1] =	stream.indirect.gather [hbm4b:s4+s16], $0x80, s30, s16, $0xb8;
	[tilespmem:$0x1D880] =	vst v63  }
0x97: {  	_ =	swait.ge [sflag:s20], $0x3200  }
0x98: {  	[sflag:s20] =	ssyncset.done $0x0  }
0x99: {  	s31 =	sadd.s32 $0x1C80, s25;
	[sflag:s20] =	ssyncadd.s32 $0xFFFFCE00  }
0x9a: {  	[spmem:s1] =	stream.indirect.scatter.add.f32 [tilespmem:s18], [sflag:$0x3], $0x80, s31, s16, $0xb8;
	[tilespmem:$0x1D880] =	vst v63  }
0x9b: {  	_ =	swait.ge [sflag:s14], $0x3200  }
0x9c: {  	[sflag:s14] =	ssyncset.done $0x0  }
0x9d: {  	[sflag:s14] =	ssyncadd.s32 $0xFFFFCE00  }
0x9e: {  	[tilespmem:s18], [sflag:$0x2] =	stream.indirect.gather [hbm4b:s4+s16], $0x80, s21, s16, $0xb8;
	[tilespmem:$0x1D880] =	vst v63  }
0x9f: {  	_ =	swait.ge [sflag:s19], $0x3200  }
0xa0: {  	[sflag:s19] =	ssyncset.done $0x0  }
0xa1: {  	[sflag:s19] =	ssyncadd.s32 $0xFFFFCE00  }
0xa2: {  	[spmem:s1] =	stream.indirect.scatter.add.f32 [tilespmem:s17], [sflag:$0x3], $0x80, s22, s16, $0xb8;
	[tilespmem:$0x1D880] =	vst v63  }
0xa3: {  	_ =	swait.ge [sflag:s14], $0x3200  }
0xa4: {  	[sflag:s14] =	ssyncset.done $0x0  }
0xa5: {  	[sflag:s14] =	ssyncadd.s32 $0xFFFFCE00  }
0xa6: {  	_ =	swait.ge [sflag:s20], $0x3200  }
0xa7: {  	[sflag:s20] =	ssyncset.done $0x0  }
0xa8: {  	[sflag:s20] =	ssyncadd.s32 $0xFFFFCE00  }
0xa9: {  	[spmem:s1] =	stream.indirect.scatter.add.f32 [tilespmem:s18], [sflag:$0x3], $0x80, s23, s16, $0xb8;
	[tilespmem:$0x1D880] =	vst v63  }
0xaa: {  	_ =	swait.ge [sflag:s14], $0x3200  }
0xab: {  	s24 =	sadd.s32 $0x1, s24;
	[sflag:s14] =	ssyncset.done $0x0  }
0xac: {  	p1 =	sne.s32 s24, s11;
	[sflag:s14] =	ssyncadd.s32 $0xFFFFCE00  }
.Ltmp2:
0xad: {  	s25 =	simm.s32 @!p0 $0x3;
	[bflag:$0x0] =	sbarrier.arrive $0xFFFF;
	(pc) =	sbr.rel @p1 .LBB2_1-.Ltmp2, $4  }
0xae: {  	[hbm:s10], [sflag:s12] =	dma.local @!p0 [spmem:s13], $0x3E80  }
0xaf: {  	_ =	swait.ge @!p0 [sflag:s25], $0x3E80  }
0xb0: {  	[sflag:s25] =	ssyncset.done @!p0 $0x0  }
0xb1: {  	[sflag:s25] =	ssyncadd.s32 @!p0 $0xFFFFC180  }
0xb2: {  	_ =	sfence.sel $0x180000  }
0xb3: {  	[bflag:$0x0] =	sbarrier.arrive $0xFFFF  }
0xb4: {  	p0 =	sne.s32 s3, $0x0;
	_ =	strace $0x9000004D  }
0xb5: {  	s0 =	sadd.s32 @!p0 $0x100000, s0;
	[bflag:$0x2] =	sbarrier.arrive $0xFFFF  }
0xb6: {  	[sflag:s0] =	ssyncadd.tile.s32 @!p0 $0x1;
	_ =	shalt  }
.Lfunc_end2:
_tile_overlayer_lowered:
.L_overlay_start_2:
0xb7: {  	(tag) =	ssettag $0x2  }
0xb8: {  	s0 =	rddreg [dreg:$0x0];
	s2 =	stileid.u32  }
0xb9: {  	s1 =	rddreg [dreg:$0x1];
	p0 =	sne.s32 s2, $0x0  }
0xba: {  	s3 =	rddreg [dreg:$0x2];
	[bflag:$0x3] =	sbarrier.arrive $0xFFFF;
	s2 =	simm.s32 @!p0 $0x1C03  }
0xbb: {  	[timem:s3], [sflag:s2] =	dma.local @!p0 [hbm:s0], s1  }
0xbc: {  	s0 =	simm.s32 @!p0 $0x3  }
0xbd: {  	_ =	swait.ge @!p0 [sflag:s0], s1  }
0xbe: {  	s1 =	ssub.s32 @!p0 $0x0, s1;
	[sflag:s0] =	ssyncset.done @!p0 $0x0  }
0xbf: {  	[sflag:s0] =	ssyncadd.s32 @!p0 s1  }
0xc0: {  	[bflag:$0x3] =	sbarrier.arrive $0xFFFF  }
0xc1: {  	_ =	shalt  }

</sc_bundles>
